<compile_context>
chip_gen: v7x
topology: tpu7x:2x2x1
jax: 0.10.2.dev20260603
libtpu: 0.0.44.dev20260713+nightly
codegen_flags: <defaults>
</compile_context>

<pallas_src>
import functools

import jax
import jax.numpy as jnp
from jax import lax
from jax.experimental import pallas as pl
from jax.experimental.pallas import tpu as pltpu
from jax.experimental.pallas import tpu_sc as plsc

BATCH = 16384
N_FIELDS = 26
EMBED_DIM = 32
NUM_WORKERS = 32
ROWS_PER_WORKER = BATCH // NUM_WORKERS
GROUP = 64
NUM_GROUPS = ROWS_PER_WORKER // GROUP

_mesh = plsc.VectorSubcoreMesh(core_axis_name="c", subcore_axis_name="s")


@functools.partial(
    pl.kernel,
    mesh=_mesh,
    out_type=jax.ShapeDtypeStruct((BATCH, N_FIELDS, EMBED_DIM), jnp.float32),
    scratch_types=[
        pltpu.VMEM((ROWS_PER_WORKER, N_FIELDS), jnp.int32),
        pltpu.VMEM((GROUP, N_FIELDS, EMBED_DIM), jnp.float32),
        pltpu.VMEM((GROUP, N_FIELDS, EMBED_DIM), jnp.float32),
        pltpu.SemaphoreType.DMA,
        pltpu.SemaphoreType.DMA,
        pltpu.SemaphoreType.DMA,
        pltpu.SemaphoreType.DMA,
    ],
    compiler_params=pltpu.CompilerParams(use_tc_tiling_on_sc=False),
)
def _gather_kernel(idx_hbm, table_hbm, out_hbm, idx_v, buf0, buf1,
                   gsem0, gsem1, osem0, osem1):
    wid = lax.axis_index("s") * 2 + lax.axis_index("c")
    base = wid * ROWS_PER_WORKER
    bufs = (buf0, buf1)
    gsems = (gsem0, gsem1)
    osems = (osem0, osem1)

    pltpu.sync_copy(idx_hbm.at[pl.ds(base, ROWS_PER_WORKER)], idx_v)

    def fire_gather(g, buf, sem):
        def row_body(r, _):
            pltpu.async_copy(
                table_hbm.at[idx_v.at[g * GROUP + r]], buf.at[r], sem
            )
            return 0

        lax.fori_loop(0, GROUP, row_body, 0)

    def drain_gather(buf, sem):
        pltpu.make_async_copy(out_hbm.at[pl.ds(0, GROUP)], buf, sem).wait()

    def fire_out(g, buf, sem):
        pltpu.async_copy(buf, out_hbm.at[pl.ds(base + g * GROUP, GROUP)], sem)

    def drain_out(buf, sem):
        pltpu.make_async_copy(buf, out_hbm.at[pl.ds(0, GROUP)], sem).wait()

    fire_gather(0, bufs[0], gsems[0])
    for g in range(NUM_GROUPS):
        p = g % 2
        q = 1 - p
        drain_gather(bufs[p], gsems[p])
        if g + 1 < NUM_GROUPS:
            if g >= 1:
                drain_out(bufs[q], osems[q])
            fire_gather(g + 1, bufs[q], gsems[q])
        fire_out(g, bufs[p], osems[p])
    drain_out(bufs[NUM_GROUPS % 2], osems[NUM_GROUPS % 2])
    drain_out(bufs[(NUM_GROUPS - 1) % 2], osems[(NUM_GROUPS - 1) % 2])


def kernel(input, table):
    return _gather_kernel(input, table)

# --- scband reference (transcript-rebuilt; emitter-appended) ---
"""Pipeline reference for scband-embedding-87479893885756 (READ-ONLY COPY).

The authoritative reference and input builder live on the scoring server;
editing this copy changes nothing except your own understanding.
"""

import jax, jax.numpy as jnp
import numpy as np

NUM_EMBEDDINGS = 1000000
EMBED_DIM = 32
BATCH = 16384
N_FIELDS = 26


def setup_inputs(seed: int = 0) -> dict:
    key = jax.random.key(seed)
    k_idx, k_tab = jax.random.split(key)
    indices = jax.random.randint(k_idx, (BATCH, N_FIELDS), 0, NUM_EMBEDDINGS, dtype=jnp.int64 if jax.config.jax_enable_x64 else jnp.int32)
    table = jax.random.normal(k_tab, (NUM_EMBEDDINGS, EMBED_DIM), dtype=jnp.float32) * 0.02
    return {"input": indices, "table": table}


def reference(input, table):
    # Faithful translation of torch.nn.Embedding.from_pretrained(...) forward:
    # plain row gather from the embedding table (no padding_idx / max_norm by default).
    return jnp.take(table, input, axis=0)

if __name__ == "__main__":
    import jax
    _d = setup_inputs()
    print(jax.jit(kernel)(*tuple(_d.values())))

</pallas_src>

<mosaic_0001>
#map = affine_map<(d0, d1) -> (0, 0)>
#map1 = affine_map<(d0, d1) -> (0, 0, 0)>
module attributes {stable_mosaic.version = 14 : i64} {
  func.func @_gather_kernel(%arg0: i32, %arg1: i32, %arg2: memref<16384x26xi32, #tpu.memory_space<hbm>>, %arg3: memref<1000000x32xf32, #tpu.memory_space<hbm>>, %arg4: memref<16384x26x32xf32, #tpu.memory_space<hbm>>, %arg5: memref<512x26xi32, #tpu.memory_space<vmem>>, %arg6: memref<64x26x32xf32, #tpu.memory_space<vmem>>, %arg7: memref<64x26x32xf32, #tpu.memory_space<vmem>>, %arg8: memref<!tpu.dma_semaphore, #tpu.memory_space<semaphore_mem>>, %arg9: memref<!tpu.dma_semaphore, #tpu.memory_space<semaphore_mem>>, %arg10: memref<!tpu.dma_semaphore, #tpu.memory_space<semaphore_mem>>, %arg11: memref<!tpu.dma_semaphore, #tpu.memory_space<semaphore_mem>>) attributes {dimension_semantics = [#tpu.dimension_semantics<core_parallel>, #tpu.dimension_semantics<subcore_parallel>], iteration_bounds = array<i64: 2, 16>, scalar_prefetch = 0 : i64, scratch_operands = 7 : i64, tpu.core_type = #tpu.core_type<sc_vector_subcore>, window_params = [{transform_indices = #map}, {transform_indices = #map}, {transform_indices = #map1}]} {
    %mul3A = arith.constant 2 : i32
    %mul3A_0 = arith.muli %arg1, %mul3A : i32
    %add3A = arith.addi %mul3A_0, %arg0 : i32
    %mul3A_1 = arith.constant 512 : i32
    %mul3A_2 = arith.muli %add3A, %mul3A_1 : i32
    "tpu.region"() ({
      %run_scoped3A = tpu.sem_alloc : memref<!tpu.dma_semaphore, #tpu.memory_space<semaphore_mem>>
      %dma_start3A_248 = arith.constant 0 : i32
      %dma_start3A_249 = tpu.memref_slice %arg2[%mul3A_2, %dma_start3A_248] : memref<16384x26xi32, #tpu.memory_space<hbm>> -> memref<512x26xi32, #tpu.memory_space<hbm>>
      %dma_start3A_250 = arith.constant 0 : i32
      %dma_start3A_251 = tpu.memref_slice %arg2[%mul3A_2, %dma_start3A_250] : memref<16384x26xi32, #tpu.memory_space<hbm>> -> memref<512x26xi32, #tpu.memory_space<hbm>>
      tpu.enqueue_dma source(%dma_start3A_251 : memref<512x26xi32, #tpu.memory_space<hbm>>) target(%arg5 : memref<512x26xi32, #tpu.memory_space<vmem>>) target_semaphore(%run_scoped3A : memref<!tpu.dma_semaphore, #tpu.memory_space<semaphore_mem>>)
      %dma_wait3A_252 = arith.constant 0 : i32
      %dma_wait3A_253 = tpu.memref_slice %arg2[%mul3A_2, %dma_wait3A_252] : memref<16384x26xi32, #tpu.memory_space<hbm>> -> memref<512x26xi32, #tpu.memory_space<hbm>>
      %dma_wait3A_254 = arith.constant 0 : i32
      %dma_wait3A_255 = tpu.memref_slice %arg2[%mul3A_2, %dma_wait3A_254] : memref<16384x26xi32, #tpu.memory_space<hbm>> -> memref<512x26xi32, #tpu.memory_space<hbm>>
      tpu.wait_dma2 semaphore(%run_scoped3A : memref<!tpu.dma_semaphore, #tpu.memory_space<semaphore_mem>>) src(%dma_wait3A_255 : memref<512x26xi32, #tpu.memory_space<hbm>>) dst(%arg5 : memref<512x26xi32, #tpu.memory_space<vmem>>)
      tpu.yield
    }) : () -> ()
    %scan3A = arith.constant 0 : i32
    %scan3A_3 = arith.constant 0 : i32
    %scan3A_4 = arith.constant 64 : i32
    %scan3A_5 = arith.addi %scan3A_3, %scan3A_4 : i32
    %scan3A_6 = arith.constant 1 : i32
    %scan3A_7 = scf.for %scan3A_248 = %scan3A_3 to %scan3A_5 step %scan3A_6 iter_args(%scan3A_249 = %scan3A) -> (i32)  : i32 {
      %add3A_250 = arith.constant 0 : i32
      %add3A_251 = arith.addi %add3A_250, %scan3A_248 : i32
      %dma_start3A_252 = arith.constant 0 : i32
      %dma_start3A_253 = arith.constant 0 : i32
      %dma_start3A_254 = tpu.memref_slice %arg6[%scan3A_248, %dma_start3A_252, %dma_start3A_253] : memref<64x26x32xf32, #tpu.memory_space<vmem>> -> memref<1x26x32xf32, #tpu.memory_space<vmem>>
      %dma_start3A_255 = tpu.memref_squeeze %dma_start3A_254 : memref<1x26x32xf32, #tpu.memory_space<vmem>> -> memref<26x32xf32, #tpu.memory_space<vmem>>
      %dma_start3A_256 = arith.constant 0 : i32
      %dma_start3A_257 = tpu.memref_slice %arg5[%add3A_251, %dma_start3A_256] : memref<512x26xi32, #tpu.memory_space<vmem>> -> memref<1x26xi32, #tpu.memory_space<vmem>>
      %dma_start3A_258 = tpu.memref_squeeze %dma_start3A_257 : memref<1x26xi32, #tpu.memory_space<vmem>> -> memref<26xi32, #tpu.memory_space<vmem>>
      %dma_start3A_259 = arith.constant 0 : i32
      %dma_start3A_260 = arith.constant 0 : i32
      %dma_start3A_261 = tpu.memref_slice %arg3[%dma_start3A_259, %dma_start3A_260] : memref<1000000x32xf32, #tpu.memory_space<hbm>> -> memref<1000000x32xf32, #tpu.memory_space<hbm>>
      tpu.enqueue_indirect_dma source(%dma_start3A_261 : memref<1000000x32xf32, #tpu.memory_space<hbm>>) target(%dma_start3A_255 : memref<26x32xf32, #tpu.memory_space<vmem>>) offsets(%dma_start3A_258 : memref<26xi32, #tpu.memory_space<vmem>>) semaphore(%arg8 : memref<!tpu.dma_semaphore, #tpu.memory_space<semaphore_mem>>)
      %scan3A_262 = arith.constant 0 : i32
      scf.yield %scan3A_262 : i32
    }
    %scan3A_8 = arith.constant 64 : i32
    %dma_wait3A = arith.constant 0 : i32
    %dma_wait3A_9 = arith.constant 0 : i32
    %dma_wait3A_10 = arith.constant 0 : i32
    %dma_wait3A_11 = tpu.memref_slice %arg4[%dma_wait3A, %dma_wait3A_9, %dma_wait3A_10] : memref<16384x26x32xf32, #tpu.memory_space<hbm>> -> memref<64x26x32xf32, #tpu.memory_space<hbm>>
    %dma_wait3A_12 = arith.constant 0 : i32
    %dma_wait3A_13 = arith.constant 0 : i32
    %dma_wait3A_14 = arith.constant 0 : i32
    %dma_wait3A_15 = tpu.memref_slice %arg4[%dma_wait3A_12, %dma_wait3A_13, %dma_wait3A_14] : memref<16384x26x32xf32, #tpu.memory_space<hbm>> -> memref<64x26x32xf32, #tpu.memory_space<hbm>>
    tpu.wait_dma2 semaphore(%arg8 : memref<!tpu.dma_semaphore, #tpu.memory_space<semaphore_mem>>) src(%dma_wait3A_15 : memref<64x26x32xf32, #tpu.memory_space<hbm>>) dst(%arg6 : memref<64x26x32xf32, #tpu.memory_space<vmem>>)
    %scan3A_16 = arith.constant 0 : i32
    %scan3A_17 = arith.constant 0 : i32
    %scan3A_18 = arith.constant 64 : i32
    %scan3A_19 = arith.addi %scan3A_17, %scan3A_18 : i32
    %scan3A_20 = arith.constant 1 : i32
    %scan3A_21 = scf.for %scan3A_248 = %scan3A_17 to %scan3A_19 step %scan3A_20 iter_args(%scan3A_249 = %scan3A_16) -> (i32)  : i32 {
      %add3A_250 = arith.constant 64 : i32
      %add3A_251 = arith.addi %add3A_250, %scan3A_248 : i32
      %dma_start3A_252 = arith.constant 0 : i32
      %dma_start3A_253 = arith.constant 0 : i32
      %dma_start3A_254 = tpu.memref_slice %arg7[%scan3A_248, %dma_start3A_252, %dma_start3A_253] : memref<64x26x32xf32, #tpu.memory_space<vmem>> -> memref<1x26x32xf32, #tpu.memory_space<vmem>>
      %dma_start3A_255 = tpu.memref_squeeze %dma_start3A_254 : memref<1x26x32xf32, #tpu.memory_space<vmem>> -> memref<26x32xf32, #tpu.memory_space<vmem>>
      %dma_start3A_256 = arith.constant 0 : i32
      %dma_start3A_257 = tpu.memref_slice %arg5[%add3A_251, %dma_start3A_256] : memref<512x26xi32, #tpu.memory_space<vmem>> -> memref<1x26xi32, #tpu.memory_space<vmem>>
      %dma_start3A_258 = tpu.memref_squeeze %dma_start3A_257 : memref<1x26xi32, #tpu.memory_space<vmem>> -> memref<26xi32, #tpu.memory_space<vmem>>
      %dma_start3A_259 = arith.constant 0 : i32
      %dma_start3A_260 = arith.constant 0 : i32
      %dma_start3A_261 = tpu.memref_slice %arg3[%dma_start3A_259, %dma_start3A_260] : memref<1000000x32xf32, #tpu.memory_space<hbm>> -> memref<1000000x32xf32, #tpu.memory_space<hbm>>
      tpu.enqueue_indirect_dma source(%dma_start3A_261 : memref<1000000x32xf32, #tpu.memory_space<hbm>>) target(%dma_start3A_255 : memref<26x32xf32, #tpu.memory_space<vmem>>) offsets(%dma_start3A_258 : memref<26xi32, #tpu.memory_space<vmem>>) semaphore(%arg9 : memref<!tpu.dma_semaphore, #tpu.memory_space<semaphore_mem>>)
      %scan3A_262 = arith.constant 0 : i32
      scf.yield %scan3A_262 : i32
    }
    %scan3A_22 = arith.constant 64 : i32
    %add3A_23 = arith.constant 0 : i32
    %add3A_24 = arith.addi %mul3A_2, %add3A_23 : i32
    %dma_start3A = arith.constant 0 : i32
    %dma_start3A_25 = arith.constant 0 : i32
    %dma_start3A_26 = tpu.memref_slice %arg4[%add3A_24, %dma_start3A, %dma_start3A_25] : memref<16384x26x32xf32, #tpu.memory_space<hbm>> -> memref<64x26x32xf32, #tpu.memory_space<hbm>>
    %dma_start3A_27 = arith.constant 0 : i32
    %dma_start3A_28 = arith.constant 0 : i32
    %dma_start3A_29 = tpu.memref_slice %arg4[%add3A_24, %dma_start3A_27, %dma_start3A_28] : memref<16384x26x32xf32, #tpu.memory_space<hbm>> -> memref<64x26x32xf32, #tpu.memory_space<hbm>>
    tpu.enqueue_dma source(%arg6 : memref<64x26x32xf32, #tpu.memory_space<vmem>>) target(%dma_start3A_29 : memref<64x26x32xf32, #tpu.memory_space<hbm>>) target_semaphore(%arg10 : memref<!tpu.dma_semaphore, #tpu.memory_space<semaphore_mem>>)
    %dma_wait3A_30 = arith.constant 0 : i32
    %dma_wait3A_31 = arith.constant 0 : i32
    %dma_wait3A_32 = arith.constant 0 : i32
    %dma_wait3A_33 = tpu.memref_slice %arg4[%dma_wait3A_30, %dma_wait3A_31, %dma_wait3A_32] : memref<16384x26x32xf32, #tpu.memory_space<hbm>> -> memref<64x26x32xf32, #tpu.memory_space<hbm>>
    %dma_wait3A_34 = arith.constant 0 : i32
    %dma_wait3A_35 = arith.constant 0 : i32
    %dma_wait3A_36 = arith.constant 0 : i32
    %dma_wait3A_37 = tpu.memref_slice %arg4[%dma_wait3A_34, %dma_wait3A_35, %dma_wait3A_36] : memref<16384x26x32xf32, #tpu.memory_space<hbm>> -> memref<64x26x32xf32, #tpu.memory_space<hbm>>
    tpu.wait_dma2 semaphore(%arg9 : memref<!tpu.dma_semaphore, #tpu.memory_space<semaphore_mem>>) src(%dma_wait3A_37 : memref<64x26x32xf32, #tpu.memory_space<hbm>>) dst(%arg7 : memref<64x26x32xf32, #tpu.memory_space<vmem>>)
    %dma_wait3A_38 = arith.constant 0 : i32
    %dma_wait3A_39 = arith.constant 0 : i32
    %dma_wait3A_40 = arith.constant 0 : i32
    %dma_wait3A_41 = tpu.memref_slice %arg4[%dma_wait3A_38, %dma_wait3A_39, %dma_wait3A_40] : memref<16384x26x32xf32, #tpu.memory_space<hbm>> -> memref<64x26x32xf32, #tpu.memory_space<hbm>>
    %dma_wait3A_42 = arith.constant 0 : i32
    %dma_wait3A_43 = arith.constant 0 : i32
    %dma_wait3A_44 = arith.constant 0 : i32
    %dma_wait3A_45 = tpu.memref_slice %arg4[%dma_wait3A_42, %dma_wait3A_43, %dma_wait3A_44] : memref<16384x26x32xf32, #tpu.memory_space<hbm>> -> memref<64x26x32xf32, #tpu.memory_space<hbm>>
    tpu.wait_dma2 semaphore(%arg10 : memref<!tpu.dma_semaphore, #tpu.memory_space<semaphore_mem>>) src(%arg6 : memref<64x26x32xf32, #tpu.memory_space<vmem>>) dst(%dma_wait3A_45 : memref<64x26x32xf32, #tpu.memory_space<hbm>>)
    %scan3A_46 = arith.constant 0 : i32
    %scan3A_47 = arith.constant 0 : i32
    %scan3A_48 = arith.constant 64 : i32
    %scan3A_49 = arith.addi %scan3A_47, %scan3A_48 : i32
    %scan3A_50 = arith.constant 1 : i32
    %scan3A_51 = scf.for %scan3A_248 = %scan3A_47 to %scan3A_49 step %scan3A_50 iter_args(%scan3A_249 = %scan3A_46) -> (i32)  : i32 {
      %add3A_250 = arith.constant 128 : i32
      %add3A_251 = arith.addi %add3A_250, %scan3A_248 : i32
      %dma_start3A_252 = arith.constant 0 : i32
      %dma_start3A_253 = arith.constant 0 : i32
      %dma_start3A_254 = tpu.memref_slice %arg6[%scan3A_248, %dma_start3A_252, %dma_start3A_253] : memref<64x26x32xf32, #tpu.memory_space<vmem>> -> memref<1x26x32xf32, #tpu.memory_space<vmem>>
      %dma_start3A_255 = tpu.memref_squeeze %dma_start3A_254 : memref<1x26x32xf32, #tpu.memory_space<vmem>> -> memref<26x32xf32, #tpu.memory_space<vmem>>
      %dma_start3A_256 = arith.constant 0 : i32
      %dma_start3A_257 = tpu.memref_slice %arg5[%add3A_251, %dma_start3A_256] : memref<512x26xi32, #tpu.memory_space<vmem>> -> memref<1x26xi32, #tpu.memory_space<vmem>>
      %dma_start3A_258 = tpu.memref_squeeze %dma_start3A_257 : memref<1x26xi32, #tpu.memory_space<vmem>> -> memref<26xi32, #tpu.memory_space<vmem>>
      %dma_start3A_259 = arith.constant 0 : i32
      %dma_start3A_260 = arith.constant 0 : i32
      %dma_start3A_261 = tpu.memref_slice %arg3[%dma_start3A_259, %dma_start3A_260] : memref<1000000x32xf32, #tpu.memory_space<hbm>> -> memref<1000000x32xf32, #tpu.memory_space<hbm>>
      tpu.enqueue_indirect_dma source(%dma_start3A_261 : memref<1000000x32xf32, #tpu.memory_space<hbm>>) target(%dma_start3A_255 : memref<26x32xf32, #tpu.memory_space<vmem>>) offsets(%dma_start3A_258 : memref<26xi32, #tpu.memory_space<vmem>>) semaphore(%arg8 : memref<!tpu.dma_semaphore, #tpu.memory_space<semaphore_mem>>)
      %scan3A_262 = arith.constant 0 : i32
      scf.yield %scan3A_262 : i32
    }
    %scan3A_52 = arith.constant 64 : i32
    %add3A_53 = arith.constant 64 : i32
    %add3A_54 = arith.addi %mul3A_2, %add3A_53 : i32
    %dma_start3A_55 = arith.constant 0 : i32
    %dma_start3A_56 = arith.constant 0 : i32
    %dma_start3A_57 = tpu.memref_slice %arg4[%add3A_54, %dma_start3A_55, %dma_start3A_56] : memref<16384x26x32xf32, #tpu.memory_space<hbm>> -> memref<64x26x32xf32, #tpu.memory_space<hbm>>
    %dma_start3A_58 = arith.constant 0 : i32
    %dma_start3A_59 = arith.constant 0 : i32
    %dma_start3A_60 = tpu.memref_slice %arg4[%add3A_54, %dma_start3A_58, %dma_start3A_59] : memref<16384x26x32xf32, #tpu.memory_space<hbm>> -> memref<64x26x32xf32, #tpu.memory_space<hbm>>
    tpu.enqueue_dma source(%arg7 : memref<64x26x32xf32, #tpu.memory_space<vmem>>) target(%dma_start3A_60 : memref<64x26x32xf32, #tpu.memory_space<hbm>>) target_semaphore(%arg11 : memref<!tpu.dma_semaphore, #tpu.memory_space<semaphore_mem>>)
    %dma_wait3A_61 = arith.constant 0 : i32
    %dma_wait3A_62 = arith.constant 0 : i32
    %dma_wait3A_63 = arith.constant 0 : i32
    %dma_wait3A_64 = tpu.memref_slice %arg4[%dma_wait3A_61, %dma_wait3A_62, %dma_wait3A_63] : memref<16384x26x32xf32, #tpu.memory_space<hbm>> -> memref<64x26x32xf32, #tpu.memory_space<hbm>>
    %dma_wait3A_65 = arith.constant 0 : i32
    %dma_wait3A_66 = arith.constant 0 : i32
    %dma_wait3A_67 = arith.constant 0 : i32
    %dma_wait3A_68 = tpu.memref_slice %arg4[%dma_wait3A_65, %dma_wait3A_66, %dma_wait3A_67] : memref<16384x26x32xf32, #tpu.memory_space<hbm>> -> memref<64x26x32xf32, #tpu.memory_space<hbm>>
    tpu.wait_dma2 semaphore(%arg8 : memref<!tpu.dma_semaphore, #tpu.memory_space<semaphore_mem>>) src(%dma_wait3A_68 : memref<64x26x32xf32, #tpu.memory_space<hbm>>) dst(%arg6 : memref<64x26x32xf32, #tpu.memory_space<vmem>>)
    %dma_wait3A_69 = arith.constant 0 : i32
    %dma_wait3A_70 = arith.constant 0 : i32
    %dma_wait3A_71 = arith.constant 0 : i32
    %dma_wait3A_72 = tpu.memref_slice %arg4[%dma_wait3A_69, %dma_wait3A_70, %dma_wait3A_71] : memref<16384x26x32xf32, #tpu.memory_space<hbm>> -> memref<64x26x32xf32, #tpu.memory_space<hbm>>
    %dma_wait3A_73 = arith.constant 0 : i32
    %dma_wait3A_74 = arith.constant 0 : i32
    %dma_wait3A_75 = arith.constant 0 : i32
    %dma_wait3A_76 = tpu.memref_slice %arg4[%dma_wait3A_73, %dma_wait3A_74, %dma_wait3A_75] : memref<16384x26x32xf32, #tpu.memory_space<hbm>> -> memref<64x26x32xf32, #tpu.memory_space<hbm>>
    tpu.wait_dma2 semaphore(%arg11 : memref<!tpu.dma_semaphore, #tpu.memory_space<semaphore_mem>>) src(%arg7 : memref<64x26x32xf32, #tpu.memory_space<vmem>>) dst(%dma_wait3A_76 : memref<64x26x32xf32, #tpu.memory_space<hbm>>)
    %scan3A_77 = arith.constant 0 : i32
    %scan3A_78 = arith.constant 0 : i32
    %scan3A_79 = arith.constant 64 : i32
    %scan3A_80 = arith.addi %scan3A_78, %scan3A_79 : i32
    %scan3A_81 = arith.constant 1 : i32
    %scan3A_82 = scf.for %scan3A_248 = %scan3A_78 to %scan3A_80 step %scan3A_81 iter_args(%scan3A_249 = %scan3A_77) -> (i32)  : i32 {
      %add3A_250 = arith.constant 192 : i32
      %add3A_251 = arith.addi %add3A_250, %scan3A_248 : i32
      %dma_start3A_252 = arith.constant 0 : i32
      %dma_start3A_253 = arith.constant 0 : i32
      %dma_start3A_254 = tpu.memref_slice %arg7[%scan3A_248, %dma_start3A_252, %dma_start3A_253] : memref<64x26x32xf32, #tpu.memory_space<vmem>> -> memref<1x26x32xf32, #tpu.memory_space<vmem>>
      %dma_start3A_255 = tpu.memref_squeeze %dma_start3A_254 : memref<1x26x32xf32, #tpu.memory_space<vmem>> -> memref<26x32xf32, #tpu.memory_space<vmem>>
      %dma_start3A_256 = arith.constant 0 : i32
      %dma_start3A_257 = tpu.memref_slice %arg5[%add3A_251, %dma_start3A_256] : memref<512x26xi32, #tpu.memory_space<vmem>> -> memref<1x26xi32, #tpu.memory_space<vmem>>
      %dma_start3A_258 = tpu.memref_squeeze %dma_start3A_257 : memref<1x26xi32, #tpu.memory_space<vmem>> -> memref<26xi32, #tpu.memory_space<vmem>>
      %dma_start3A_259 = arith.constant 0 : i32
      %dma_start3A_260 = arith.constant 0 : i32
      %dma_start3A_261 = tpu.memref_slice %arg3[%dma_start3A_259, %dma_start3A_260] : memref<1000000x32xf32, #tpu.memory_space<hbm>> -> memref<1000000x32xf32, #tpu.memory_space<hbm>>
      tpu.enqueue_indirect_dma source(%dma_start3A_261 : memref<1000000x32xf32, #tpu.memory_space<hbm>>) target(%dma_start3A_255 : memref<26x32xf32, #tpu.memory_space<vmem>>) offsets(%dma_start3A_258 : memref<26xi32, #tpu.memory_space<vmem>>) semaphore(%arg9 : memref<!tpu.dma_semaphore, #tpu.memory_space<semaphore_mem>>)
      %scan3A_262 = arith.constant 0 : i32
      scf.yield %scan3A_262 : i32
    }
    %scan3A_83 = arith.constant 64 : i32
    %add3A_84 = arith.constant 128 : i32
    %add3A_85 = arith.addi %mul3A_2, %add3A_84 : i32
    %dma_start3A_86 = arith.constant 0 : i32
    %dma_start3A_87 = arith.constant 0 : i32
    %dma_start3A_88 = tpu.memref_slice %arg4[%add3A_85, %dma_start3A_86, %dma_start3A_87] : memref<16384x26x32xf32, #tpu.memory_space<hbm>> -> memref<64x26x32xf32, #tpu.memory_space<hbm>>
    %dma_start3A_89 = arith.constant 0 : i32
    %dma_start3A_90 = arith.constant 0 : i32
    %dma_start3A_91 = tpu.memref_slice %arg4[%add3A_85, %dma_start3A_89, %dma_start3A_90] : memref<16384x26x32xf32, #tpu.memory_space<hbm>> -> memref<64x26x32xf32, #tpu.memory_space<hbm>>
    tpu.enqueue_dma source(%arg6 : memref<64x26x32xf32, #tpu.memory_space<vmem>>) target(%dma_start3A_91 : memref<64x26x32xf32, #tpu.memory_space<hbm>>) target_semaphore(%arg10 : memref<!tpu.dma_semaphore, #tpu.memory_space<semaphore_mem>>)
    %dma_wait3A_92 = arith.constant 0 : i32
    %dma_wait3A_93 = arith.constant 0 : i32
    %dma_wait3A_94 = arith.constant 0 : i32
    %dma_wait3A_95 = tpu.memref_slice %arg4[%dma_wait3A_92, %dma_wait3A_93, %dma_wait3A_94] : memref<16384x26x32xf32, #tpu.memory_space<hbm>> -> memref<64x26x32xf32, #tpu.memory_space<hbm>>
    %dma_wait3A_96 = arith.constant 0 : i32
    %dma_wait3A_97 = arith.constant 0 : i32
    %dma_wait3A_98 = arith.constant 0 : i32
    %dma_wait3A_99 = tpu.memref_slice %arg4[%dma_wait3A_96, %dma_wait3A_97, %dma_wait3A_98] : memref<16384x26x32xf32, #tpu.memory_space<hbm>> -> memref<64x26x32xf32, #tpu.memory_space<hbm>>
    tpu.wait_dma2 semaphore(%arg9 : memref<!tpu.dma_semaphore, #tpu.memory_space<semaphore_mem>>) src(%dma_wait3A_99 : memref<64x26x32xf32, #tpu.memory_space<hbm>>) dst(%arg7 : memref<64x26x32xf32, #tpu.memory_space<vmem>>)
    %dma_wait3A_100 = arith.constant 0 : i32
    %dma_wait3A_101 = arith.constant 0 : i32
    %dma_wait3A_102 = arith.constant 0 : i32
    %dma_wait3A_103 = tpu.memref_slice %arg4[%dma_wait3A_100, %dma_wait3A_101, %dma_wait3A_102] : memref<16384x26x32xf32, #tpu.memory_space<hbm>> -> memref<64x26x32xf32, #tpu.memory_space<hbm>>
    %dma_wait3A_104 = arith.constant 0 : i32
    %dma_wait3A_105 = arith.constant 0 : i32
    %dma_wait3A_106 = arith.constant 0 : i32
    %dma_wait3A_107 = tpu.memref_slice %arg4[%dma_wait3A_104, %dma_wait3A_105, %dma_wait3A_106] : memref<16384x26x32xf32, #tpu.memory_space<hbm>> -> memref<64x26x32xf32, #tpu.memory_space<hbm>>
    tpu.wait_dma2 semaphore(%arg10 : memref<!tpu.dma_semaphore, #tpu.memory_space<semaphore_mem>>) src(%arg6 : memref<64x26x32xf32, #tpu.memory_space<vmem>>) dst(%dma_wait3A_107 : memref<64x26x32xf32, #tpu.memory_space<hbm>>)
    %scan3A_108 = arith.constant 0 : i32
    %scan3A_109 = arith.constant 0 : i32
    %scan3A_110 = arith.constant 64 : i32
    %scan3A_111 = arith.addi %scan3A_109, %scan3A_110 : i32
    %scan3A_112 = arith.constant 1 : i32
    %scan3A_113 = scf.for %scan3A_248 = %scan3A_109 to %scan3A_111 step %scan3A_112 iter_args(%scan3A_249 = %scan3A_108) -> (i32)  : i32 {
      %add3A_250 = arith.constant 256 : i32
      %add3A_251 = arith.addi %add3A_250, %scan3A_248 : i32
      %dma_start3A_252 = arith.constant 0 : i32
      %dma_start3A_253 = arith.constant 0 : i32
      %dma_start3A_254 = tpu.memref_slice %arg6[%scan3A_248, %dma_start3A_252, %dma_start3A_253] : memref<64x26x32xf32, #tpu.memory_space<vmem>> -> memref<1x26x32xf32, #tpu.memory_space<vmem>>
      %dma_start3A_255 = tpu.memref_squeeze %dma_start3A_254 : memref<1x26x32xf32, #tpu.memory_space<vmem>> -> memref<26x32xf32, #tpu.memory_space<vmem>>
      %dma_start3A_256 = arith.constant 0 : i32
      %dma_start3A_257 = tpu.memref_slice %arg5[%add3A_251, %dma_start3A_256] : memref<512x26xi32, #tpu.memory_space<vmem>> -> memref<1x26xi32, #tpu.memory_space<vmem>>
      %dma_start3A_258 = tpu.memref_squeeze %dma_start3A_257 : memref<1x26xi32, #tpu.memory_space<vmem>> -> memref<26xi32, #tpu.memory_space<vmem>>
      %dma_start3A_259 = arith.constant 0 : i32
      %dma_start3A_260 = arith.constant 0 : i32
      %dma_start3A_261 = tpu.memref_slice %arg3[%dma_start3A_259, %dma_start3A_260] : memref<1000000x32xf32, #tpu.memory_space<hbm>> -> memref<1000000x32xf32, #tpu.memory_space<hbm>>
      tpu.enqueue_indirect_dma source(%dma_start3A_261 : memref<1000000x32xf32, #tpu.memory_space<hbm>>) target(%dma_start3A_255 : memref<26x32xf32, #tpu.memory_space<vmem>>) offsets(%dma_start3A_258 : memref<26xi32, #tpu.memory_space<vmem>>) semaphore(%arg8 : memref<!tpu.dma_semaphore, #tpu.memory_space<semaphore_mem>>)
      %scan3A_262 = arith.constant 0 : i32
      scf.yield %scan3A_262 : i32
    }
    %scan3A_114 = arith.constant 64 : i32
    %add3A_115 = arith.constant 192 : i32
    %add3A_116 = arith.addi %mul3A_2, %add3A_115 : i32
    %dma_start3A_117 = arith.constant 0 : i32
    %dma_start3A_118 = arith.constant 0 : i32
    %dma_start3A_119 = tpu.memref_slice %arg4[%add3A_116, %dma_start3A_117, %dma_start3A_118] : memref<16384x26x32xf32, #tpu.memory_space<hbm>> -> memref<64x26x32xf32, #tpu.memory_space<hbm>>
    %dma_start3A_120 = arith.constant 0 : i32
    %dma_start3A_121 = arith.constant 0 : i32
    %dma_start3A_122 = tpu.memref_slice %arg4[%add3A_116, %dma_start3A_120, %dma_start3A_121] : memref<16384x26x32xf32, #tpu.memory_space<hbm>> -> memref<64x26x32xf32, #tpu.memory_space<hbm>>
    tpu.enqueue_dma source(%arg7 : memref<64x26x32xf32, #tpu.memory_space<vmem>>) target(%dma_start3A_122 : memref<64x26x32xf32, #tpu.memory_space<hbm>>) target_semaphore(%arg11 : memref<!tpu.dma_semaphore, #tpu.memory_space<semaphore_mem>>)
    %dma_wait3A_123 = arith.constant 0 : i32
    %dma_wait3A_124 = arith.constant 0 : i32
    %dma_wait3A_125 = arith.constant 0 : i32
    %dma_wait3A_126 = tpu.memref_slice %arg4[%dma_wait3A_123, %dma_wait3A_124, %dma_wait3A_125] : memref<16384x26x32xf32, #tpu.memory_space<hbm>> -> memref<64x26x32xf32, #tpu.memory_space<hbm>>
    %dma_wait3A_127 = arith.constant 0 : i32
    %dma_wait3A_128 = arith.constant 0 : i32
    %dma_wait3A_129 = arith.constant 0 : i32
    %dma_wait3A_130 = tpu.memref_slice %arg4[%dma_wait3A_127, %dma_wait3A_128, %dma_wait3A_129] : memref<16384x26x32xf32, #tpu.memory_space<hbm>> -> memref<64x26x32xf32, #tpu.memory_space<hbm>>
    tpu.wait_dma2 semaphore(%arg8 : memref<!tpu.dma_semaphore, #tpu.memory_space<semaphore_mem>>) src(%dma_wait3A_130 : memref<64x26x32xf32, #tpu.memory_space<hbm>>) dst(%arg6 : memref<64x26x32xf32, #tpu.memory_space<vmem>>)
    %dma_wait3A_131 = arith.constant 0 : i32
    %dma_wait3A_132 = arith.constant 0 : i32
    %dma_wait3A_133 = arith.constant 0 : i32
    %dma_wait3A_134 = tpu.memref_slice %arg4[%dma_wait3A_131, %dma_wait3A_132, %dma_wait3A_133] : memref<16384x26x32xf32, #tpu.memory_space<hbm>> -> memref<64x26x32xf32, #tpu.memory_space<hbm>>
    %dma_wait3A_135 = arith.constant 0 : i32
    %dma_wait3A_136 = arith.constant 0 : i32
    %dma_wait3A_137 = arith.constant 0 : i32
    %dma_wait3A_138 = tpu.memref_slice %arg4[%dma_wait3A_135, %dma_wait3A_136, %dma_wait3A_137] : memref<16384x26x32xf32, #tpu.memory_space<hbm>> -> memref<64x26x32xf32, #tpu.memory_space<hbm>>
    tpu.wait_dma2 semaphore(%arg11 : memref<!tpu.dma_semaphore, #tpu.memory_space<semaphore_mem>>) src(%arg7 : memref<64x26x32xf32, #tpu.memory_space<vmem>>) dst(%dma_wait3A_138 : memref<64x26x32xf32, #tpu.memory_space<hbm>>)
    %scan3A_139 = arith.constant 0 : i32
    %scan3A_140 = arith.constant 0 : i32
    %scan3A_141 = arith.constant 64 : i32
    %scan3A_142 = arith.addi %scan3A_140, %scan3A_141 : i32
    %scan3A_143 = arith.constant 1 : i32
    %scan3A_144 = scf.for %scan3A_248 = %scan3A_140 to %scan3A_142 step %scan3A_143 iter_args(%scan3A_249 = %scan3A_139) -> (i32)  : i32 {
      %add3A_250 = arith.constant 320 : i32
      %add3A_251 = arith.addi %add3A_250, %scan3A_248 : i32
      %dma_start3A_252 = arith.constant 0 : i32
      %dma_start3A_253 = arith.constant 0 : i32
      %dma_start3A_254 = tpu.memref_slice %arg7[%scan3A_248, %dma_start3A_252, %dma_start3A_253] : memref<64x26x32xf32, #tpu.memory_space<vmem>> -> memref<1x26x32xf32, #tpu.memory_space<vmem>>
      %dma_start3A_255 = tpu.memref_squeeze %dma_start3A_254 : memref<1x26x32xf32, #tpu.memory_space<vmem>> -> memref<26x32xf32, #tpu.memory_space<vmem>>
      %dma_start3A_256 = arith.constant 0 : i32
      %dma_start3A_257 = tpu.memref_slice %arg5[%add3A_251, %dma_start3A_256] : memref<512x26xi32, #tpu.memory_space<vmem>> -> memref<1x26xi32, #tpu.memory_space<vmem>>
      %dma_start3A_258 = tpu.memref_squeeze %dma_start3A_257 : memref<1x26xi32, #tpu.memory_space<vmem>> -> memref<26xi32, #tpu.memory_space<vmem>>
      %dma_start3A_259 = arith.constant 0 : i32
      %dma_start3A_260 = arith.constant 0 : i32
      %dma_start3A_261 = tpu.memref_slice %arg3[%dma_start3A_259, %dma_start3A_260] : memref<1000000x32xf32, #tpu.memory_space<hbm>> -> memref<1000000x32xf32, #tpu.memory_space<hbm>>
      tpu.enqueue_indirect_dma source(%dma_start3A_261 : memref<1000000x32xf32, #tpu.memory_space<hbm>>) target(%dma_start3A_255 : memref<26x32xf32, #tpu.memory_space<vmem>>) offsets(%dma_start3A_258 : memref<26xi32, #tpu.memory_space<vmem>>) semaphore(%arg9 : memref<!tpu.dma_semaphore, #tpu.memory_space<semaphore_mem>>)
      %scan3A_262 = arith.constant 0 : i32
      scf.yield %scan3A_262 : i32
    }
    %scan3A_145 = arith.constant 64 : i32
    %add3A_146 = arith.constant 256 : i32
    %add3A_147 = arith.addi %mul3A_2, %add3A_146 : i32
    %dma_start3A_148 = arith.constant 0 : i32
    %dma_start3A_149 = arith.constant 0 : i32
    %dma_start3A_150 = tpu.memref_slice %arg4[%add3A_147, %dma_start3A_148, %dma_start3A_149] : memref<16384x26x32xf32, #tpu.memory_space<hbm>> -> memref<64x26x32xf32, #tpu.memory_space<hbm>>
    %dma_start3A_151 = arith.constant 0 : i32
    %dma_start3A_152 = arith.constant 0 : i32
    %dma_start3A_153 = tpu.memref_slice %arg4[%add3A_147, %dma_start3A_151, %dma_start3A_152] : memref<16384x26x32xf32, #tpu.memory_space<hbm>> -> memref<64x26x32xf32, #tpu.memory_space<hbm>>
    tpu.enqueue_dma source(%arg6 : memref<64x26x32xf32, #tpu.memory_space<vmem>>) target(%dma_start3A_153 : memref<64x26x32xf32, #tpu.memory_space<hbm>>) target_semaphore(%arg10 : memref<!tpu.dma_semaphore, #tpu.memory_space<semaphore_mem>>)
    %dma_wait3A_154 = arith.constant 0 : i32
    %dma_wait3A_155 = arith.constant 0 : i32
    %dma_wait3A_156 = arith.constant 0 : i32
    %dma_wait3A_157 = tpu.memref_slice %arg4[%dma_wait3A_154, %dma_wait3A_155, %dma_wait3A_156] : memref<16384x26x32xf32, #tpu.memory_space<hbm>> -> memref<64x26x32xf32, #tpu.memory_space<hbm>>
    %dma_wait3A_158 = arith.constant 0 : i32
    %dma_wait3A_159 = arith.constant 0 : i32
    %dma_wait3A_160 = arith.constant 0 : i32
    %dma_wait3A_161 = tpu.memref_slice %arg4[%dma_wait3A_158, %dma_wait3A_159, %dma_wait3A_160] : memref<16384x26x32xf32, #tpu.memory_space<hbm>> -> memref<64x26x32xf32, #tpu.memory_space<hbm>>
    tpu.wait_dma2 semaphore(%arg9 : memref<!tpu.dma_semaphore, #tpu.memory_space<semaphore_mem>>) src(%dma_wait3A_161 : memref<64x26x32xf32, #tpu.memory_space<hbm>>) dst(%arg7 : memref<64x26x32xf32, #tpu.memory_space<vmem>>)
    %dma_wait3A_162 = arith.constant 0 : i32
    %dma_wait3A_163 = arith.constant 0 : i32
    %dma_wait3A_164 = arith.constant 0 : i32
    %dma_wait3A_165 = tpu.memref_slice %arg4[%dma_wait3A_162, %dma_wait3A_163, %dma_wait3A_164] : memref<16384x26x32xf32, #tpu.memory_space<hbm>> -> memref<64x26x32xf32, #tpu.memory_space<hbm>>
    %dma_wait3A_166 = arith.constant 0 : i32
    %dma_wait3A_167 = arith.constant 0 : i32
    %dma_wait3A_168 = arith.constant 0 : i32
    %dma_wait3A_169 = tpu.memref_slice %arg4[%dma_wait3A_166, %dma_wait3A_167, %dma_wait3A_168] : memref<16384x26x32xf32, #tpu.memory_space<hbm>> -> memref<64x26x32xf32, #tpu.memory_space<hbm>>
    tpu.wait_dma2 semaphore(%arg10 : memref<!tpu.dma_semaphore, #tpu.memory_space<semaphore_mem>>) src(%arg6 : memref<64x26x32xf32, #tpu.memory_space<vmem>>) dst(%dma_wait3A_169 : memref<64x26x32xf32, #tpu.memory_space<hbm>>)
    %scan3A_170 = arith.constant 0 : i32
    %scan3A_171 = arith.constant 0 : i32
    %scan3A_172 = arith.constant 64 : i32
    %scan3A_173 = arith.addi %scan3A_171, %scan3A_172 : i32
    %scan3A_174 = arith.constant 1 : i32
    %scan3A_175 = scf.for %scan3A_248 = %scan3A_171 to %scan3A_173 step %scan3A_174 iter_args(%scan3A_249 = %scan3A_170) -> (i32)  : i32 {
      %add3A_250 = arith.constant 384 : i32
      %add3A_251 = arith.addi %add3A_250, %scan3A_248 : i32
      %dma_start3A_252 = arith.constant 0 : i32
      %dma_start3A_253 = arith.constant 0 : i32
      %dma_start3A_254 = tpu.memref_slice %arg6[%scan3A_248, %dma_start3A_252, %dma_start3A_253] : memref<64x26x32xf32, #tpu.memory_space<vmem>> -> memref<1x26x32xf32, #tpu.memory_space<vmem>>
      %dma_start3A_255 = tpu.memref_squeeze %dma_start3A_254 : memref<1x26x32xf32, #tpu.memory_space<vmem>> -> memref<26x32xf32, #tpu.memory_space<vmem>>
      %dma_start3A_256 = arith.constant 0 : i32
      %dma_start3A_257 = tpu.memref_slice %arg5[%add3A_251, %dma_start3A_256] : memref<512x26xi32, #tpu.memory_space<vmem>> -> memref<1x26xi32, #tpu.memory_space<vmem>>
      %dma_start3A_258 = tpu.memref_squeeze %dma_start3A_257 : memref<1x26xi32, #tpu.memory_space<vmem>> -> memref<26xi32, #tpu.memory_space<vmem>>
      %dma_start3A_259 = arith.constant 0 : i32
      %dma_start3A_260 = arith.constant 0 : i32
      %dma_start3A_261 = tpu.memref_slice %arg3[%dma_start3A_259, %dma_start3A_260] : memref<1000000x32xf32, #tpu.memory_space<hbm>> -> memref<1000000x32xf32, #tpu.memory_space<hbm>>
      tpu.enqueue_indirect_dma source(%dma_start3A_261 : memref<1000000x32xf32, #tpu.memory_space<hbm>>) target(%dma_start3A_255 : memref<26x32xf32, #tpu.memory_space<vmem>>) offsets(%dma_start3A_258 : memref<26xi32, #tpu.memory_space<vmem>>) semaphore(%arg8 : memref<!tpu.dma_semaphore, #tpu.memory_space<semaphore_mem>>)
      %scan3A_262 = arith.constant 0 : i32
      scf.yield %scan3A_262 : i32
    }
    %scan3A_176 = arith.constant 64 : i32
    %add3A_177 = arith.constant 320 : i32
    %add3A_178 = arith.addi %mul3A_2, %add3A_177 : i32
    %dma_start3A_179 = arith.constant 0 : i32
    %dma_start3A_180 = arith.constant 0 : i32
    %dma_start3A_181 = tpu.memref_slice %arg4[%add3A_178, %dma_start3A_179, %dma_start3A_180] : memref<16384x26x32xf32, #tpu.memory_space<hbm>> -> memref<64x26x32xf32, #tpu.memory_space<hbm>>
    %dma_start3A_182 = arith.constant 0 : i32
    %dma_start3A_183 = arith.constant 0 : i32
    %dma_start3A_184 = tpu.memref_slice %arg4[%add3A_178, %dma_start3A_182, %dma_start3A_183] : memref<16384x26x32xf32, #tpu.memory_space<hbm>> -> memref<64x26x32xf32, #tpu.memory_space<hbm>>
    tpu.enqueue_dma source(%arg7 : memref<64x26x32xf32, #tpu.memory_space<vmem>>) target(%dma_start3A_184 : memref<64x26x32xf32, #tpu.memory_space<hbm>>) target_semaphore(%arg11 : memref<!tpu.dma_semaphore, #tpu.memory_space<semaphore_mem>>)
    %dma_wait3A_185 = arith.constant 0 : i32
    %dma_wait3A_186 = arith.constant 0 : i32
    %dma_wait3A_187 = arith.constant 0 : i32
    %dma_wait3A_188 = tpu.memref_slice %arg4[%dma_wait3A_185, %dma_wait3A_186, %dma_wait3A_187] : memref<16384x26x32xf32, #tpu.memory_space<hbm>> -> memref<64x26x32xf32, #tpu.memory_space<hbm>>
    %dma_wait3A_189 = arith.constant 0 : i32
    %dma_wait3A_190 = arith.constant 0 : i32
    %dma_wait3A_191 = arith.constant 0 : i32
    %dma_wait3A_192 = tpu.memref_slice %arg4[%dma_wait3A_189, %dma_wait3A_190, %dma_wait3A_191] : memref<16384x26x32xf32, #tpu.memory_space<hbm>> -> memref<64x26x32xf32, #tpu.memory_space<hbm>>
    tpu.wait_dma2 semaphore(%arg8 : memref<!tpu.dma_semaphore, #tpu.memory_space<semaphore_mem>>) src(%dma_wait3A_192 : memref<64x26x32xf32, #tpu.memory_space<hbm>>) dst(%arg6 : memref<64x26x32xf32, #tpu.memory_space<vmem>>)
    %dma_wait3A_193 = arith.constant 0 : i32
    %dma_wait3A_194 = arith.constant 0 : i32
    %dma_wait3A_195 = arith.constant 0 : i32
    %dma_wait3A_196 = tpu.memref_slice %arg4[%dma_wait3A_193, %dma_wait3A_194, %dma_wait3A_195] : memref<16384x26x32xf32, #tpu.memory_space<hbm>> -> memref<64x26x32xf32, #tpu.memory_space<hbm>>
    %dma_wait3A_197 = arith.constant 0 : i32
    %dma_wait3A_198 = arith.constant 0 : i32
    %dma_wait3A_199 = arith.constant 0 : i32
    %dma_wait3A_200 = tpu.memref_slice %arg4[%dma_wait3A_197, %dma_wait3A_198, %dma_wait3A_199] : memref<16384x26x32xf32, #tpu.memory_space<hbm>> -> memref<64x26x32xf32, #tpu.memory_space<hbm>>
    tpu.wait_dma2 semaphore(%arg11 : memref<!tpu.dma_semaphore, #tpu.memory_space<semaphore_mem>>) src(%arg7 : memref<64x26x32xf32, #tpu.memory_space<vmem>>) dst(%dma_wait3A_200 : memref<64x26x32xf32, #tpu.memory_space<hbm>>)
    %scan3A_201 = arith.constant 0 : i32
    %scan3A_202 = arith.constant 0 : i32
    %scan3A_203 = arith.constant 64 : i32
    %scan3A_204 = arith.addi %scan3A_202, %scan3A_203 : i32
    %scan3A_205 = arith.constant 1 : i32
    %scan3A_206 = scf.for %scan3A_248 = %scan3A_202 to %scan3A_204 step %scan3A_205 iter_args(%scan3A_249 = %scan3A_201) -> (i32)  : i32 {
      %add3A_250 = arith.constant 448 : i32
      %add3A_251 = arith.addi %add3A_250, %scan3A_248 : i32
      %dma_start3A_252 = arith.constant 0 : i32
      %dma_start3A_253 = arith.constant 0 : i32
      %dma_start3A_254 = tpu.memref_slice %arg7[%scan3A_248, %dma_start3A_252, %dma_start3A_253] : memref<64x26x32xf32, #tpu.memory_space<vmem>> -> memref<1x26x32xf32, #tpu.memory_space<vmem>>
      %dma_start3A_255 = tpu.memref_squeeze %dma_start3A_254 : memref<1x26x32xf32, #tpu.memory_space<vmem>> -> memref<26x32xf32, #tpu.memory_space<vmem>>
      %dma_start3A_256 = arith.constant 0 : i32
      %dma_start3A_257 = tpu.memref_slice %arg5[%add3A_251, %dma_start3A_256] : memref<512x26xi32, #tpu.memory_space<vmem>> -> memref<1x26xi32, #tpu.memory_space<vmem>>
      %dma_start3A_258 = tpu.memref_squeeze %dma_start3A_257 : memref<1x26xi32, #tpu.memory_space<vmem>> -> memref<26xi32, #tpu.memory_space<vmem>>
      %dma_start3A_259 = arith.constant 0 : i32
      %dma_start3A_260 = arith.constant 0 : i32
      %dma_start3A_261 = tpu.memref_slice %arg3[%dma_start3A_259, %dma_start3A_260] : memref<1000000x32xf32, #tpu.memory_space<hbm>> -> memref<1000000x32xf32, #tpu.memory_space<hbm>>
      tpu.enqueue_indirect_dma source(%dma_start3A_261 : memref<1000000x32xf32, #tpu.memory_space<hbm>>) target(%dma_start3A_255 : memref<26x32xf32, #tpu.memory_space<vmem>>) offsets(%dma_start3A_258 : memref<26xi32, #tpu.memory_space<vmem>>) semaphore(%arg9 : memref<!tpu.dma_semaphore, #tpu.memory_space<semaphore_mem>>)
      %scan3A_262 = arith.constant 0 : i32
      scf.yield %scan3A_262 : i32
    }
    %scan3A_207 = arith.constant 64 : i32
    %add3A_208 = arith.constant 384 : i32
    %add3A_209 = arith.addi %mul3A_2, %add3A_208 : i32
    %dma_start3A_210 = arith.constant 0 : i32
    %dma_start3A_211 = arith.constant 0 : i32
    %dma_start3A_212 = tpu.memref_slice %arg4[%add3A_209, %dma_start3A_210, %dma_start3A_211] : memref<16384x26x32xf32, #tpu.memory_space<hbm>> -> memref<64x26x32xf32, #tpu.memory_space<hbm>>
    %dma_start3A_213 = arith.constant 0 : i32
    %dma_start3A_214 = arith.constant 0 : i32
    %dma_start3A_215 = tpu.memref_slice %arg4[%add3A_209, %dma_start3A_213, %dma_start3A_214] : memref<16384x26x32xf32, #tpu.memory_space<hbm>> -> memref<64x26x32xf32, #tpu.memory_space<hbm>>
    tpu.enqueue_dma source(%arg6 : memref<64x26x32xf32, #tpu.memory_space<vmem>>) target(%dma_start3A_215 : memref<64x26x32xf32, #tpu.memory_space<hbm>>) target_semaphore(%arg10 : memref<!tpu.dma_semaphore, #tpu.memory_space<semaphore_mem>>)
    %dma_wait3A_216 = arith.constant 0 : i32
    %dma_wait3A_217 = arith.constant 0 : i32
    %dma_wait3A_218 = arith.constant 0 : i32
    %dma_wait3A_219 = tpu.memref_slice %arg4[%dma_wait3A_216, %dma_wait3A_217, %dma_wait3A_218] : memref<16384x26x32xf32, #tpu.memory_space<hbm>> -> memref<64x26x32xf32, #tpu.memory_space<hbm>>
    %dma_wait3A_220 = arith.constant 0 : i32
    %dma_wait3A_221 = arith.constant 0 : i32
    %dma_wait3A_222 = arith.constant 0 : i32
    %dma_wait3A_223 = tpu.memref_slice %arg4[%dma_wait3A_220, %dma_wait3A_221, %dma_wait3A_222] : memref<16384x26x32xf32, #tpu.memory_space<hbm>> -> memref<64x26x32xf32, #tpu.memory_space<hbm>>
    tpu.wait_dma2 semaphore(%arg9 : memref<!tpu.dma_semaphore, #tpu.memory_space<semaphore_mem>>) src(%dma_wait3A_223 : memref<64x26x32xf32, #tpu.memory_space<hbm>>) dst(%arg7 : memref<64x26x32xf32, #tpu.memory_space<vmem>>)
    %add3A_224 = arith.constant 448 : i32
    %add3A_225 = arith.addi %mul3A_2, %add3A_224 : i32
    %dma_start3A_226 = arith.constant 0 : i32
    %dma_start3A_227 = arith.constant 0 : i32
    %dma_start3A_228 = tpu.memref_slice %arg4[%add3A_225, %dma_start3A_226, %dma_start3A_227] : memref<16384x26x32xf32, #tpu.memory_space<hbm>> -> memref<64x26x32xf32, #tpu.memory_space<hbm>>
    %dma_start3A_229 = arith.constant 0 : i32
    %dma_start3A_230 = arith.constant 0 : i32
    %dma_start3A_231 = tpu.memref_slice %arg4[%add3A_225, %dma_start3A_229, %dma_start3A_230] : memref<16384x26x32xf32, #tpu.memory_space<hbm>> -> memref<64x26x32xf32, #tpu.memory_space<hbm>>
    tpu.enqueue_dma source(%arg7 : memref<64x26x32xf32, #tpu.memory_space<vmem>>) target(%dma_start3A_231 : memref<64x26x32xf32, #tpu.memory_space<hbm>>) target_semaphore(%arg11 : memref<!tpu.dma_semaphore, #tpu.memory_space<semaphore_mem>>)
    %dma_wait3A_232 = arith.constant 0 : i32
    %dma_wait3A_233 = arith.constant 0 : i32
    %dma_wait3A_234 = arith.constant 0 : i32
    %dma_wait3A_235 = tpu.memref_slice %arg4[%dma_wait3A_232, %dma_wait3A_233, %dma_wait3A_234] : memref<16384x26x32xf32, #tpu.memory_space<hbm>> -> memref<64x26x32xf32, #tpu.memory_space<hbm>>
    %dma_wait3A_236 = arith.constant 0 : i32
    %dma_wait3A_237 = arith.constant 0 : i32
    %dma_wait3A_238 = arith.constant 0 : i32
    %dma_wait3A_239 = tpu.memref_slice %arg4[%dma_wait3A_236, %dma_wait3A_237, %dma_wait3A_238] : memref<16384x26x32xf32, #tpu.memory_space<hbm>> -> memref<64x26x32xf32, #tpu.memory_space<hbm>>
    tpu.wait_dma2 semaphore(%arg10 : memref<!tpu.dma_semaphore, #tpu.memory_space<semaphore_mem>>) src(%arg6 : memref<64x26x32xf32, #tpu.memory_space<vmem>>) dst(%dma_wait3A_239 : memref<64x26x32xf32, #tpu.memory_space<hbm>>)
    %dma_wait3A_240 = arith.constant 0 : i32
    %dma_wait3A_241 = arith.constant 0 : i32
    %dma_wait3A_242 = arith.constant 0 : i32
    %dma_wait3A_243 = tpu.memref_slice %arg4[%dma_wait3A_240, %dma_wait3A_241, %dma_wait3A_242] : memref<16384x26x32xf32, #tpu.memory_space<hbm>> -> memref<64x26x32xf32, #tpu.memory_space<hbm>>
    %dma_wait3A_244 = arith.constant 0 : i32
    %dma_wait3A_245 = arith.constant 0 : i32
    %dma_wait3A_246 = arith.constant 0 : i32
    %dma_wait3A_247 = tpu.memref_slice %arg4[%dma_wait3A_244, %dma_wait3A_245, %dma_wait3A_246] : memref<16384x26x32xf32, #tpu.memory_space<hbm>> -> memref<64x26x32xf32, #tpu.memory_space<hbm>>
    tpu.wait_dma2 semaphore(%arg11 : memref<!tpu.dma_semaphore, #tpu.memory_space<semaphore_mem>>) src(%arg7 : memref<64x26x32xf32, #tpu.memory_space<vmem>>) dst(%dma_wait3A_247 : memref<64x26x32xf32, #tpu.memory_space<hbm>>)
    return
  }
}

</mosaic_0001>

<sc_bundles>
// kernel: kernel.3.cloned.1.call-start
scs
__scs_entry_jumppad:
0x0: {  	(pc) =	sbr.rel $0x88, $3  }
0x1: {  	(tag) =	ssettag $0x0;
	lr =	simm.s32 $0x1  }
0x2: {  	[smem:$0x3F9F] =	sst lr;
	_ =	strace $0xD0000000  }
0x3: {  	_ = 	snop  }
0x4: {  	_ = 	snop  }
0x5: {  	_ = 	snop  }
0x6: {  	_ = 	snop  }
0x7: {  	_ = 	snop  }
__scs_overlays_trampoline_lowered:
0x8: {  	[smem:$0x3FAE] =	sst s0  }
0x9: {  	[smem:$0x3FAF] =	sst s1  }
0xa: {  	[smem:$0x3FB0] =	sst s2  }
0xb: {  	[smem:$0x3FB1] =	sst s3  }
0xc: {  	[smem:$0x3FB2] =	sst s4  }
0xd: {  	[smem:$0x3FB3] =	sst s5  }
0xe: {  	[smem:$0x3FB4] =	sst s6  }
0xf: {  	[smem:$0x3FB5] =	sst s7  }
0x10: {  	[smem:$0x3FB6] =	sst s8  }
0x11: {  	[smem:$0x3FB7] =	sst s9;
	s0 =	simm.s32 @!p0 $0x0  }
0x12: {  	s1 =	sld [smem:$0x3F9D];
	s0 =	simm.s32 @p0 $0x1  }
0x13: {  	[smem:$0x3FB8] =	sst s0;
	s0 =	simm.s32 @!p1 $0x0  }
0x14: {  	s2 =	sld [smem:$0x3F9C];
	s0 =	simm.s32 @p1 $0x1  }
0x15: {  	[smem:$0x3FB9] =	sst s0;
	s0 =	simm.s32 @!p2 $0x0  }
0x16: {  	s3 =	sld [smem:$0x3FDB];
	s0 =	simm.s32 @p2 $0x1  }
0x17: {  	s4 =	simm.s32 $0x1BF5;
	[smem:$0x3FBB] =	sst s0  }
0x18: {  	s0 =	sld [smem:$0x3F9E];
	_ =	swait.ge [sflag:s4], $0x0  }
0x19: {  	s7 =	sld [smem:$0x3F9F]  }
0x1a: {  	s8 =	sadd.s32 $0xFFFFE003, lr  }
0x1b: {  	s9 =	sadd.s32 $0xFFFFFEF7, lr;
	s5 =	simm.s32 $0xFFFFFFFF;
	p2 =	slt.u32 s8, $0xFFFFF086  }
0x1c: {  	p1 =	slt.u32 s9, $0xF7A;
	s5 =	simm.s32 @!p2 $0x0  }
0x1d: {  	s5 =	simm.s32 @p1 $0x1;
	p0 =	seq.s32 s7, s2  }
0x1e: {  	s7 =	smul.u32 @!p0 $0xF7A, s2;
	p2 =	seq.s32 @!p0 s5, $0x0  }
0x1f: {  	s9 =	smul.u32 $0xF7A, s1;
	s8 =	simm.s32 @!p0 $0x1BF5;
	p2 =	por !p2, p0  }
0x20: {  	[sflag:s8] =	ssyncset.s32 @!p0 $0xFFFFF086;
	s6 =	sadd.s32 @!p0 s3, s7;
	s7 =	simm.s32 @!p0 $0x108  }
0x21: {  	s3 =	sadd.s32 s3, s9;
	s6 =	sadd.s32 @!p0 $0x88, s6;
	s7 =	simm.s32 @p2 $0x1082  }
0x22: {  	[simem:s7], [sflag:s8] =	dma.local @!p0 [hbm:s6], $0xF7A  }
0x23: {  	s9 =	sor.u32 $0xD0000000, s2;
	s6 =	simm.s32 $0x108;
	_ =	swait.ge @!p0 [sflag:s8], $0x0  }
0x24: {  	s3 =	sadd.s32 $0x88, s3;
	s6 =	simm.s32 @!p1 $0x1082;
	[sflag:s4] =	ssyncset.s32 $0xFFFFF086  }
0x25: {  	[simem:s6], [sflag:s4] =	dma.local [hbm:s3], $0xF7A  }
0x26: {  	[smem:$0x3F9F] =	sst s1;
	(tag) =	ssettag s2;
	_ =	strace s9  }
0x27: {  	s1 =	sld [smem:$0x3FAF]  }
0x28: {  	s2 =	sld [smem:$0x3FB0]  }
0x29: {  	s4 =	sld [smem:$0x3FB2]  }
0x2a: {  	p0 =	seq.s32 s5, $0x0;
	s5 =	sld [smem:$0x3FB3]  }
0x2b: {  	s6 =	sld [smem:$0x3FB4]  }
0x2c: {  	s7 =	sld [smem:$0x3FB5]  }
0x2d: {  	s3 =	simm.s32 $0x108;
	s8 =	sld [smem:$0x3FB6]  }
0x2e: {  	s3 =	simm.s32 @!p0 $0x1082;
	s9 =	sld [smem:$0x3FB7]  }
0x2f: {  	lr =	sadd.s32 s0, s3;
	s0 =	sld [smem:$0x3FAE]  }
0x30: {  	s3 =	sld [smem:$0x3FB1]  }
0x31: {  	[smem:$0x3FBA] =	sst s10  }
0x32: {  	s10 =	sld [smem:$0x3FB8];
	_ =	sdelay $0x3  }
0x33: {  	p0 =	seq.s32 s10, $0x1;
	s10 =	sld [smem:$0x3FBA];
	_ =	sdelay $0x3  }
0x34: {  	[smem:$0x3FBA] =	sst s10  }
0x35: {  	s10 =	sld [smem:$0x3FB9];
	_ =	sdelay $0x3  }
0x36: {  	p1 =	seq.s32 s10, $0x1;
	s10 =	sld [smem:$0x3FBA];
	_ =	sdelay $0x3  }
0x37: {  	[smem:$0x3FBA] =	sst s10  }
0x38: {  	s10 =	sld [smem:$0x3FBB]  }
0x39: {  	_ = 	snop;
	(pc) =	sbr.ind lr, $3  }
0x3a: {  	_ = 	snop  }
0x3b: {  	_ = 	snop  }
0x3c: {  	p2 =	seq.s32 s10, $0x1;
	s10 =	sld [smem:$0x3FBA]  }
0x3d: {  	_ =	shalt  }
0x3e: {  	_ =	shalt  }
0x3f: {  	_ =	shalt  }
0x40: {  	_ =	shalt  }
0x41: {  	_ =	shalt  }
0x42: {  	_ =	shalt  }
0x43: {  	_ =	shalt  }
0x44: {  	_ =	shalt  }
0x45: {  	_ =	shalt  }
0x46: {  	_ =	shalt  }
0x47: {  	_ =	shalt  }
0x48: {  	_ =	shalt  }
0x49: {  	_ =	shalt  }
0x4a: {  	_ =	shalt  }
0x4b: {  	_ =	shalt  }
0x4c: {  	_ =	shalt  }
0x4d: {  	_ =	shalt  }
0x4e: {  	_ =	shalt  }
0x4f: {  	_ =	shalt  }
0x50: {  	_ =	shalt  }
0x51: {  	_ =	shalt  }
0x52: {  	_ =	shalt  }
0x53: {  	_ =	shalt  }
0x54: {  	_ =	shalt  }
0x55: {  	_ =	shalt  }
0x56: {  	_ =	shalt  }
0x57: {  	_ =	shalt  }
0x58: {  	_ =	shalt  }
0x59: {  	_ =	shalt  }
0x5a: {  	_ =	shalt  }
0x5b: {  	_ =	shalt  }
0x5c: {  	_ =	shalt  }
0x5d: {  	_ =	shalt  }
0x5e: {  	_ =	shalt  }
0x5f: {  	_ =	shalt  }
0x60: {  	_ =	shalt  }
0x61: {  	_ =	shalt  }
0x62: {  	_ =	shalt  }
0x63: {  	_ =	shalt  }
0x64: {  	_ =	shalt  }
0x65: {  	_ =	shalt  }
0x66: {  	_ =	shalt  }
0x67: {  	_ =	shalt  }
0x68: {  	_ =	shalt  }
0x69: {  	_ =	shalt  }
0x6a: {  	_ =	shalt  }
0x6b: {  	_ =	shalt  }
0x6c: {  	_ =	shalt  }
0x6d: {  	_ =	shalt  }
0x6e: {  	_ =	shalt  }
0x6f: {  	_ =	shalt  }
0x70: {  	_ =	shalt  }
0x71: {  	_ =	shalt  }
0x72: {  	_ =	shalt  }
0x73: {  	_ =	shalt  }
0x74: {  	_ =	shalt  }
0x75: {  	_ =	shalt  }
0x76: {  	_ =	shalt  }
0x77: {  	_ =	shalt  }
0x78: {  	_ =	shalt  }
0x79: {  	_ =	shalt  }
0x7a: {  	_ =	shalt  }
0x7b: {  	_ =	shalt  }
0x7c: {  	_ =	shalt  }
0x7d: {  	_ =	shalt  }
0x7e: {  	_ =	shalt  }
0x7f: {  	_ =	shalt  }
0x80: {  	_ =	shalt  }
0x81: {  	_ =	shalt  }
0x82: {  	_ =	shalt  }
0x83: {  	_ =	shalt  }
0x84: {  	_ =	shalt  }
0x85: {  	_ =	shalt  }
0x86: {  	_ =	shalt  }
0x87: {  	_ =	shalt  }
.Lfunc_end0:
.L_simem_size_0:
called_computation.1_lowered:
.L_overlay_start_0:
0x88: {  	s2 =	sld [smem:$0x3FD9]  }
0x89: {  	s3 =	sld [smem:$0x3FFE];
	_ =	sdelay $0x1  }
0x8a: {  	s1 =	srdreg.scid  }
0x8b: {  	s0 =	sand.u32 $0x1, s1  }
0x8c: {  	s17 =	sshll.u32 s0, $0xA;
	s2 =	sadd.s32 s3, s2  }
0x8d: {  	s2 =	sadd.s32 s2, s17  }
0x8e: {  	[smem:$0x3FC6] =	sst s2  }
0x8f: {  	_ = 	snop  }
0x90: {  	s2 =	sld [smem:$0x3FD0];
	(tm) =	ssettm $0x1  }
0x91: {  	s18 =	sld [smem:$0x3FFB];
	_ =	sdelay $0x3  }
0x92: {  	_ =	strace s18  }
0x93: {  	s3 =	sld [smem:$0x3FFC];
	_ =	sdelay $0x3  }
0x94: {  	_ =	strace s3  }
0x95: {  	s3 =	sld [smem:$0x3FFD];
	_ =	sdelay $0x3  }
0x96: {  	_ =	strace s3  }
0x97: {  	_ =	strace $0x8FFFFFFF  }
0x98: {  	s19 =	sld [smem:$0x3FDB];
	_ =	sdelay $0x1  }
0x99: {  	s4 =	simm.s32 $_scs_section_size  }
0x9a: {  	s5 =	simm.s32 $_size__tile_overlayer_lowered;
	s6 =	simm.s32 $_tile_overlayer_lowered  }
0x9b: {  	s22 =	simm.s32 $0x1BFF;
	s21 =	sshll.u32 s6, $0x1;
	s3 =	sadd.s32 s4, s19  }
0x9c: {  	s7 =	simm.s32 $0x0;
	s20 =	sshll.u32 s5, $0x1;
	s5 =	sadd.s32 s21, s3  }
0x9d: {  	[timem:s7], [sflag:s22] =	dma.local [hbm:s5], s20  }
0x9e: {  	_ =	swait.ge [sflag:s22], s20  }
0x9f: {  	s4 =	ssub.s32 $0x0, s20;
	[sflag:s22] =	ssyncset.done $0x0  }
0xa0: {  	[sflag:s22] =	ssyncadd.s32 s4;
	_ =	sdelay $0x1  }
0xa1: {  	s23 =	simm.s32 $0x1B8B  }
0xa2: {  	_ =	swait.ge [sflag:s23], $0x1  }
0xa3: {  	[sflag:s23] =	ssyncset.done $0x0  }
0xa4: {  	s25 =	simm.s32 $0x1B8E;
	s24 =	sld [smem:$0x3FFE];
	[sflag:s23] =	ssyncadd.s32 $0xFFFFFFFF  }
0xa5: {  	s26 =	simm.s32 $execute0_lowered;
	[smem:$0x3FD2] =	sst s25  }
0xa6: {  	s5 =	sshll.u32 s26, $0x1;
	_ =	strace $0x80000046;
	[dreg:$0x1] =	wrdreg $0xFFFFFFFF  }
0xa7: {  	s28 =	simm.s32 $_size_execute0_lowered;
	s3 =	sadd.s32 s3, s5;
	[dreg:$0x0] =	wrdreg $0x0  }
0xa8: {  	s5 =	sshll.u32 s28, $0x1;
	[dreg:$0x2] =	wrdreg s3  }
0xa9: {  	[dreg:$0x3] =	wrdreg s5  }
0xaa: {  	[dreg:$0x4] =	wrdreg $0xC0  }
0xab: {  	_ =	task [dreg:s7], $0x5FFFF  }
0xac: {  	[dreg:$0x1] =	wrdreg $0xFFFFFFFF  }
0xad: {  	[dreg:$0x0] =	wrdreg $0x60  }
0xae: {  	[dreg:$0x2] =	wrdreg s24  }
0xaf: {  	[dreg:$0x3] =	wrdreg s2  }
0xb0: {  	[dreg:$0x4] =	wrdreg $0x9  }
0xb1: {  	_ =	task.clear_ibuf [dreg:s7], $0x5FFFF;
	_ =	strace $0x90000046  }
0xb2: {  	s29 =	simm.s32 $0x9;
	_ =	strace $0x80000048  }
0xb3: {  	_ =	swait.ge [sflag:s29], $0x1  }
0xb4: {  	[sflag:s29] =	ssyncadd.s32 $0xFFFFFFFF  }
0xb5: {  	_ =	strace $0x90000048  }
0xb6: {  	_ =	sfence  }
0xb7: {  	s30 =	sld [smem:$0x0];
	_ =	sdelay $0x2  }
0xb8: {  	s31 =	sshll.u32 s1, $0xD;
	s1 =	sshrl.u32 s1, $0x2  }
0xb9: {  	s3 =	sand.u32 $0x4000, s31;
	s1 =	sadd.s32 s1, s30  }
0xba: {  	s0 =	sor.u32 s3, s0;
	s1 =	sshll.u32 s1, $0x11  }
0xbb: {  	s0 =	sor.u32 s1, s0  }
0xbc: {  	s0 =	sadd.s32 $0x8F2B, s0  }
0xbd: {  	[sflag:s0] =	ssyncadd.remote.s32 $0x1  }
0xbe: {  	_ =	sfence.sel $0xFFFF  }
0xbf: {  	[dreg:$0x0] =	wrdreg $0xFFFFFFFF;
	(pc) =	sbr.abs _section_cstart, $3  }
0xc0: {  	[dreg:$0x1] =	wrdreg $0xFFFFFFFF  }
0xc1: {  	_ =	task.clear_ibuf [dreg:s7], $0x2FFFF;
	_ =	strace $0x9FFFFFFF  }
0xc2: {  	(tm) =	ssettm $0x7FFFFFFF  }
0xc3: {  	_ =	shalt  }
tec
execute0_lowered:
.L_overlay_start_1:
0x0: {  	(tag) =	ssettag $0x1  }
0x1: {  	s3 =	rddreg [dreg:$0x0]  }
0x2: {  	s5 =	rddreg [dreg:$0x1];
	s2 =	srdreg.scid  }
0x3: {  	s0 =	rddreg [dreg:$0x2];
	s1 =	stileid.u32  }
0x4: {  	s14 =	simm.s32 $0x5;
	s15 =	simm.s32 $0x1A;
	s16 =	simm.s32 $0x1  }
0x5: {  	s17 =	simm.s32 $0x2;
	s18 =	simm.s32 $0x3;
	s19 =	simm.s32 $0x4  }
0x6: {  	s20 =	simm.s32 $0x4000;
	s21 =	simm.s32 $0x11000;
	s4 =	sand.u32 $0x1, s2  }
0x7: {  	s2 =	simm.s32 $0x0;
	s6 =	sshll.u32 s1, $0xA;
	s7 =	sshll.u32 s4, $0x9  }
0x8: {  	s22 =	simm.s32 $0x0;
	[smem:$0x7FF] =	sst s2;
	s6 =	sor.u32 s7, s6  }
0x9: {  	s4 =	ssub.s32 $0x2, s4;
	_ =	strace $0x80000047;
	s8 =	smul.u32 $0x340, s6  }
0xa: {  	s9 =	sshrl.u32 s4, $0x1;
	s7 =	sshll.u32 s6, $0x2;
	s6 =	smul.u32 $0x68, s6  }
0xb: {  	s13 =	ssub.s32 s4, s9;
	s7 =	sadd.s32 s7, s3;
	s8 =	sshrl.u32 s8, $0x3  }
0xc: {  	s3 =	sadd.s32 $0xF42E00, s3;
	s13 =	smax.u32 s13, $0x1;
	s12 =	sadd.s32 s5, s8  }
0xd: {  	s4 =	sadd.s32 $0xA00, s7;
	s5 =	sadd.s32 s5, s6;
	s6 =	sadd.s32 $0x1A00, s12  }
0xe: {  	s7 =	sadd.s32 $0x3400, s12;
	s8 =	sadd.s32 $0x4E00, s12;
	s9 =	sadd.s32 $0x6800, s12  }
0xf: {  	s10 =	sadd.s32 $0x8200, s12;
	s11 =	sadd.s32 $0x9C00, s12;
	s12 =	sadd.s32 $0xB600, s12  }
.LBB2_1:
0x10: {  	[tilespmem:s2], [sflag:$0x5] =	stream.linear.gather [hbm4b:s4+s2], $0x4000, $0x38;
	[tilespmem:$0x1E000] =	vst v63  }
0x11: {  	_ =	swait.ge [sflag:s14], $0x4000  }
0x12: {  	s23 =	simm.s32 $0x80;
	s26 =	simm.s32 $0x0;
	[sflag:s14] =	ssyncset.done $0x0  }
0x13: {  	s24 =	simm.s32 $0x4340;
	s25 =	simm.s32 $0x4000;
	[sflag:s14] =	ssyncadd.s32 $0xFFFFC000  }
.LBB2_2:
0x14: {  	[tilespmem:s25], [sflag:$0x1] =	stream.indirect.gather [hbm4b:s3+s15], $0x20, s26, s15, $0xb8;
	[tilespmem:$0x1E000] =	vst v63  }
0x15: {  	s26 =	smov.u32 s23;
	s25 =	smov.u32 s24;
	p0 =	sne.s32 s23, $0x1F80  }
.Ltmp0:
0x16: {  	s23 =	sadd.s32 $0x80, s23;
	(pc) =	sbr.rel @p0 .LBB2_2-.Ltmp0, $2  }
0x17: {  	_ =	sdelay $0x2  }
0x18: {  	s24 =	sadd.s32 $0x340, s24;
	s26 =	sshra.s32 s26, $0x2  }
0x19: {  	[tilespmem:s25], [sflag:$0x1] =	stream.indirect.gather [hbm4b:s3+s15], $0x20, s26, s15, $0xb8;
	[tilespmem:$0x1E000] =	vst v63  }
0x1a: {  	_ =	swait.ge [sflag:s16], $0xD000  }
0x1b: {  	[sflag:s16] =	ssyncset.done $0x0  }
0x1c: {  	s23 =	simm.s32 $0x11000;
	s24 =	simm.s32 $0x800;
	[sflag:s16] =	ssyncadd.s32 $0xFFFF3000  }
0x1d: {  	[tilespmem:s23], [sflag:$0x2] =	stream.indirect.gather [hbm4b:s3+s15], $0x20, s24, s15, $0xb8;
	[tilespmem:$0x1E000] =	vst v63  }
0x1e: {  	s24 =	simm.s32 $0x80  }
.LBB2_4:
0x1f: {  	p0 =	sne.s32 s24, $0x1F80  }
.Ltmp1:
0x20: {  	_ = 	snop;
	(pc) =	sbr.rel @p0 .LBB2_4-.Ltmp1, $4  }
0x21: {  	_ = 	snop  }
0x22: {  	s25 =	sshra.s32 s24, $0x2;
	s24 =	sadd.s32 $0x80, s24  }
0x23: {  	s23 =	sadd.s32 $0x340, s23;
	s25 =	sadd.s32 $0x800, s25  }
0x24: {  	[tilespmem:s23], [sflag:$0x2] =	stream.indirect.gather [hbm4b:s3+s15], $0x20, s25, s15, $0xb8;
	[tilespmem:$0x1E000] =	vst v63  }
0x25: {  	s24 =	simm.s32 $0x0;
	s23 =	simm.s32 $0x4000  }
0x26: {  	[hbm4b:s5+s24] =	stream.linear.scatter [tilespmem:s23], [sflag:$0x3], $0xD000, $0x38;
	[tilespmem:$0x1E000] =	vst v63  }
0x27: {  	_ =	swait.ge [sflag:s17], $0xD000  }
0x28: {  	[sflag:s17] =	ssyncset.done $0x0  }
0x29: {  	[sflag:s17] =	ssyncadd.s32 $0xFFFF3000  }
0x2a: {  	_ =	swait.ge [sflag:s18], $0xD000  }
0x2b: {  	[sflag:s18] =	ssyncset.done $0x0  }
0x2c: {  	s31 =	simm.s32 $0x1000;
	s24 =	simm.s32 $0x80;
	[sflag:s18] =	ssyncadd.s32 $0xFFFF3000  }
0x2d: {  	[tilespmem:s23], [sflag:$0x1] =	stream.indirect.gather [hbm4b:s3+s15], $0x20, s31, s15, $0xb8;
	[tilespmem:$0x1E000] =	vst v63  }
.LBB2_6:
0x2e: {  	p0 =	sne.s32 s24, $0x1F80  }
.Ltmp2:
0x2f: {  	_ = 	snop;
	(pc) =	sbr.rel @p0 .LBB2_6-.Ltmp2, $4  }
0x30: {  	_ = 	snop  }
0x31: {  	s25 =	sshra.s32 s24, $0x2;
	s24 =	sadd.s32 $0x80, s24  }
0x32: {  	s23 =	sadd.s32 $0x340, s23;
	s25 =	sadd.s32 $0x1000, s25  }
0x33: {  	[tilespmem:s23], [sflag:$0x1] =	stream.indirect.gather [hbm4b:s3+s15], $0x20, s25, s15, $0xb8;
	[tilespmem:$0x1E000] =	vst v63  }
0x34: {  	s24 =	simm.s32 $0x0;
	s23 =	simm.s32 $0x11000  }
0x35: {  	[hbm4b:s6+s24] =	stream.linear.scatter [tilespmem:s23], [sflag:$0x4], $0xD000, $0x38;
	[tilespmem:$0x1E000] =	vst v63  }
0x36: {  	_ =	swait.ge [sflag:s16], $0xD000  }
0x37: {  	[sflag:s16] =	ssyncset.done $0x0  }
0x38: {  	[sflag:s16] =	ssyncadd.s32 $0xFFFF3000  }
0x39: {  	_ =	swait.ge [sflag:s19], $0xD000  }
0x3a: {  	[sflag:s19] =	ssyncset.done $0x0  }
0x3b: {  	s31 =	simm.s32 $0x1800;
	s24 =	simm.s32 $0x80;
	[sflag:s19] =	ssyncadd.s32 $0xFFFF3000  }
0x3c: {  	[tilespmem:s23], [sflag:$0x2] =	stream.indirect.gather [hbm4b:s3+s15], $0x20, s31, s15, $0xb8;
	[tilespmem:$0x1E000] =	vst v63  }
.LBB2_8:
0x3d: {  	p0 =	sne.s32 s24, $0x1F80  }
.Ltmp3:
0x3e: {  	_ = 	snop;
	(pc) =	sbr.rel @p0 .LBB2_8-.Ltmp3, $4  }
0x3f: {  	_ = 	snop  }
0x40: {  	s25 =	sshra.s32 s24, $0x2;
	s24 =	sadd.s32 $0x80, s24  }
0x41: {  	s23 =	sadd.s32 $0x340, s23;
	s25 =	sadd.s32 $0x1800, s25  }
0x42: {  	[tilespmem:s23], [sflag:$0x2] =	stream.indirect.gather [hbm4b:s3+s15], $0x20, s25, s15, $0xb8;
	[tilespmem:$0x1E000] =	vst v63  }
0x43: {  	s24 =	simm.s32 $0x0;
	s23 =	simm.s32 $0x4000  }
0x44: {  	[hbm4b:s7+s24] =	stream.linear.scatter [tilespmem:s23], [sflag:$0x3], $0xD000, $0x38;
	[tilespmem:$0x1E000] =	vst v63  }
0x45: {  	_ =	swait.ge [sflag:s17], $0xD000  }
0x46: {  	[sflag:s17] =	ssyncset.done $0x0  }
0x47: {  	[sflag:s17] =	ssyncadd.s32 $0xFFFF3000  }
0x48: {  	_ =	swait.ge [sflag:s18], $0xD000  }
0x49: {  	[sflag:s18] =	ssyncset.done $0x0  }
0x4a: {  	s31 =	simm.s32 $0x2000;
	s24 =	simm.s32 $0x80;
	[sflag:s18] =	ssyncadd.s32 $0xFFFF3000  }
0x4b: {  	[tilespmem:s23], [sflag:$0x1] =	stream.indirect.gather [hbm4b:s3+s15], $0x20, s31, s15, $0xb8;
	[tilespmem:$0x1E000] =	vst v63  }
.LBB2_10:
0x4c: {  	p0 =	sne.s32 s24, $0x1F80  }
.Ltmp4:
0x4d: {  	_ = 	snop;
	(pc) =	sbr.rel @p0 .LBB2_10-.Ltmp4, $4  }
0x4e: {  	_ = 	snop  }
0x4f: {  	s25 =	sshra.s32 s24, $0x2;
	s24 =	sadd.s32 $0x80, s24  }
0x50: {  	s23 =	sadd.s32 $0x340, s23;
	s25 =	sadd.s32 $0x2000, s25  }
0x51: {  	[tilespmem:s23], [sflag:$0x1] =	stream.indirect.gather [hbm4b:s3+s15], $0x20, s25, s15, $0xb8;
	[tilespmem:$0x1E000] =	vst v63  }
0x52: {  	s24 =	simm.s32 $0x0;
	s23 =	simm.s32 $0x11000  }
0x53: {  	[hbm4b:s8+s24] =	stream.linear.scatter [tilespmem:s23], [sflag:$0x4], $0xD000, $0x38;
	[tilespmem:$0x1E000] =	vst v63  }
0x54: {  	_ =	swait.ge [sflag:s16], $0xD000  }
0x55: {  	[sflag:s16] =	ssyncset.done $0x0  }
0x56: {  	[sflag:s16] =	ssyncadd.s32 $0xFFFF3000  }
0x57: {  	_ =	swait.ge [sflag:s19], $0xD000  }
0x58: {  	[sflag:s19] =	ssyncset.done $0x0  }
0x59: {  	s31 =	simm.s32 $0x2800;
	s24 =	simm.s32 $0x80;
	[sflag:s19] =	ssyncadd.s32 $0xFFFF3000  }
0x5a: {  	[tilespmem:s23], [sflag:$0x2] =	stream.indirect.gather [hbm4b:s3+s15], $0x20, s31, s15, $0xb8;
	[tilespmem:$0x1E000] =	vst v63  }
.LBB2_12:
0x5b: {  	p0 =	sne.s32 s24, $0x1F80  }
.Ltmp5:
0x5c: {  	_ = 	snop;
	(pc) =	sbr.rel @p0 .LBB2_12-.Ltmp5, $4  }
0x5d: {  	_ = 	snop  }
0x5e: {  	s25 =	sshra.s32 s24, $0x2;
	s24 =	sadd.s32 $0x80, s24  }
0x5f: {  	s23 =	sadd.s32 $0x340, s23;
	s25 =	sadd.s32 $0x2800, s25  }
0x60: {  	[tilespmem:s23], [sflag:$0x2] =	stream.indirect.gather [hbm4b:s3+s15], $0x20, s25, s15, $0xb8;
	[tilespmem:$0x1E000] =	vst v63  }
0x61: {  	s24 =	simm.s32 $0x0;
	s23 =	simm.s32 $0x4000  }
0x62: {  	[hbm4b:s9+s24] =	stream.linear.scatter [tilespmem:s23], [sflag:$0x3], $0xD000, $0x38;
	[tilespmem:$0x1E000] =	vst v63  }
0x63: {  	_ =	swait.ge [sflag:s17], $0xD000  }
0x64: {  	[sflag:s17] =	ssyncset.done $0x0  }
0x65: {  	[sflag:s17] =	ssyncadd.s32 $0xFFFF3000  }
0x66: {  	_ =	swait.ge [sflag:s18], $0xD000  }
0x67: {  	[sflag:s18] =	ssyncset.done $0x0  }
0x68: {  	s31 =	simm.s32 $0x3000;
	s24 =	simm.s32 $0x80;
	[sflag:s18] =	ssyncadd.s32 $0xFFFF3000  }
0x69: {  	[tilespmem:s23], [sflag:$0x1] =	stream.indirect.gather [hbm4b:s3+s15], $0x20, s31, s15, $0xb8;
	[tilespmem:$0x1E000] =	vst v63  }
.LBB2_14:
0x6a: {  	p0 =	sne.s32 s24, $0x1F80  }
.Ltmp6:
0x6b: {  	_ = 	snop;
	(pc) =	sbr.rel @p0 .LBB2_14-.Ltmp6, $4  }
0x6c: {  	_ = 	snop  }
0x6d: {  	s25 =	sshra.s32 s24, $0x2;
	s24 =	sadd.s32 $0x80, s24  }
0x6e: {  	s23 =	sadd.s32 $0x340, s23;
	s25 =	sadd.s32 $0x3000, s25  }
0x6f: {  	[tilespmem:s23], [sflag:$0x1] =	stream.indirect.gather [hbm4b:s3+s15], $0x20, s25, s15, $0xb8;
	[tilespmem:$0x1E000] =	vst v63  }
0x70: {  	s24 =	simm.s32 $0x0;
	s23 =	simm.s32 $0x11000  }
0x71: {  	[hbm4b:s10+s24] =	stream.linear.scatter [tilespmem:s23], [sflag:$0x4], $0xD000, $0x38;
	[tilespmem:$0x1E000] =	vst v63  }
0x72: {  	_ =	swait.ge [sflag:s16], $0xD000  }
0x73: {  	[sflag:s16] =	ssyncset.done $0x0  }
0x74: {  	[sflag:s16] =	ssyncadd.s32 $0xFFFF3000  }
0x75: {  	_ =	swait.ge [sflag:s19], $0xD000  }
0x76: {  	[sflag:s19] =	ssyncset.done $0x0  }
0x77: {  	s31 =	simm.s32 $0x3800;
	s24 =	simm.s32 $0x80;
	[sflag:s19] =	ssyncadd.s32 $0xFFFF3000  }
0x78: {  	[tilespmem:s23], [sflag:$0x2] =	stream.indirect.gather [hbm4b:s3+s15], $0x20, s31, s15, $0xb8;
	[tilespmem:$0x1E000] =	vst v63  }
.LBB2_16:
0x79: {  	p0 =	sne.s32 s24, $0x1F80  }
.Ltmp7:
0x7a: {  	_ = 	snop;
	(pc) =	sbr.rel @p0 .LBB2_16-.Ltmp7, $4  }
0x7b: {  	_ = 	snop  }
0x7c: {  	s25 =	sshra.s32 s24, $0x2;
	s24 =	sadd.s32 $0x80, s24  }
0x7d: {  	s23 =	sadd.s32 $0x340, s23;
	s25 =	sadd.s32 $0x3800, s25  }
0x7e: {  	[tilespmem:s23], [sflag:$0x2] =	stream.indirect.gather [hbm4b:s3+s15], $0x20, s25, s15, $0xb8;
	[tilespmem:$0x1E000] =	vst v63  }
0x7f: {  	[hbm4b:s11+s2] =	stream.linear.scatter [tilespmem:s20], [sflag:$0x3], $0xD000, $0x38;
	[tilespmem:$0x1E000] =	vst v63  }
0x80: {  	_ =	swait.ge [sflag:s17], $0xD000  }
0x81: {  	[sflag:s17] =	ssyncset.done $0x0  }
0x82: {  	s22 =	sadd.s32 $0x1, s22;
	[sflag:s17] =	ssyncadd.s32 $0xFFFF3000  }
0x83: {  	[hbm4b:s12+s2] =	stream.linear.scatter [tilespmem:s21], [sflag:$0x4], $0xD000, $0x38;
	[tilespmem:$0x1E000] =	vst v63  }
0x84: {  	p0 =	sne.s32 s22, s13;
	_ =	swait.ge [sflag:s18], $0xD000  }
.Ltmp8:
0x85: {  	[sflag:s18] =	ssyncset.done $0x0;
	(pc) =	sbr.rel @p0 .LBB2_1-.Ltmp8, $4  }
0x86: {  	[sflag:s18] =	ssyncadd.s32 $0xFFFF3000  }
0x87: {  	_ =	swait.ge [sflag:s19], $0xD000  }
0x88: {  	[sflag:s19] =	ssyncset.done $0x0  }
0x89: {  	[sflag:s19] =	ssyncadd.s32 $0xFFFF3000  }
0x8a: {  	_ =	sfence.sel $0x180000  }
0x8b: {  	[bflag:$0x0] =	sbarrier.arrive $0xFFFF  }
0x8c: {  	p0 =	sne.s32 s1, $0x0;
	_ =	strace $0x90000047  }
0x8d: {  	s0 =	sadd.s32 @!p0 $0x100000, s0;
	[bflag:$0x2] =	sbarrier.arrive $0xFFFF  }
0x8e: {  	[sflag:s0] =	ssyncadd.tile.s32 @!p0 $0x1;
	_ =	shalt  }
.Lfunc_end2:
_tile_overlayer_lowered:
.L_overlay_start_2:
0x8f: {  	(tag) =	ssettag $0x2  }
0x90: {  	s0 =	rddreg [dreg:$0x0];
	s2 =	stileid.u32  }
0x91: {  	s1 =	rddreg [dreg:$0x1];
	p0 =	sne.s32 s2, $0x0  }
0x92: {  	s3 =	rddreg [dreg:$0x2];
	[bflag:$0x3] =	sbarrier.arrive $0xFFFF;
	s2 =	simm.s32 @!p0 $0x1C05  }
0x93: {  	[timem:s3], [sflag:s2] =	dma.local @!p0 [hbm:s0], s1  }
0x94: {  	s0 =	simm.s32 @!p0 $0x5  }
0x95: {  	_ =	swait.ge @!p0 [sflag:s0], s1  }
0x96: {  	s1 =	ssub.s32 @!p0 $0x0, s1;
	[sflag:s0] =	ssyncset.done @!p0 $0x0  }
0x97: {  	[sflag:s0] =	ssyncadd.s32 @!p0 s1  }
0x98: {  	[bflag:$0x3] =	sbarrier.arrive $0xFFFF  }
0x99: {  	_ =	shalt  }

// kernel: sparse-core-data-format-call.cloned.1.call-start
scs
called_computation_lowered:
.L_overlay_start_0:
0x0: {  	s2 =	sld [smem:$0x3FD9]  }
0x1: {  	s3 =	sld [smem:$0x3FFE];
	_ =	sdelay $0x1  }
0x2: {  	s1 =	srdreg.scid  }
0x3: {  	s0 =	sand.u32 $0x1, s1  }
0x4: {  	s18 =	sshll.u32 s0, $0xA;
	s2 =	sadd.s32 s3, s2  }
0x5: {  	s2 =	sadd.s32 s2, s18  }
0x6: {  	[smem:$0x3FC6] =	sst s2  }
0x7: {  	_ = 	snop  }
0x8: {  	s2 =	sld [smem:$0x3FD0];
	(tm) =	ssettm $0x1  }
0x9: {  	s19 =	sld [smem:$0x3FFB];
	_ =	sdelay $0x3  }
0xa: {  	_ =	strace s19  }
0xb: {  	s3 =	sld [smem:$0x3FFC];
	_ =	sdelay $0x3  }
0xc: {  	_ =	strace s3  }
0xd: {  	s3 =	sld [smem:$0x3FFD];
	_ =	sdelay $0x3  }
0xe: {  	_ =	strace s3  }
0xf: {  	_ =	strace $0x8FFFFFFF  }
0x10: {  	s20 =	sld [smem:$0x3FDB];
	_ =	sdelay $0x1  }
0x11: {  	s4 =	simm.s32 $_scs_section_size  }
0x12: {  	s5 =	simm.s32 $_size__tile_overlayer_lowered;
	s6 =	simm.s32 $_tile_overlayer_lowered  }
0x13: {  	s23 =	simm.s32 $0x1BFF;
	s22 =	sshll.u32 s6, $0x1;
	s3 =	sadd.s32 s4, s20  }
0x14: {  	s7 =	simm.s32 $0x0;
	s21 =	sshll.u32 s5, $0x1;
	s5 =	sadd.s32 s22, s3  }
0x15: {  	[timem:s7], [sflag:s23] =	dma.local [hbm:s5], s21  }
0x16: {  	_ =	swait.ge [sflag:s23], s21  }
0x17: {  	s4 =	ssub.s32 $0x0, s21;
	[sflag:s23] =	ssyncset.done $0x0  }
0x18: {  	[sflag:s23] =	ssyncadd.s32 s4;
	_ =	sdelay $0x1  }
0x19: {  	s24 =	simm.s32 $0x1B8B  }
0x1a: {  	_ =	swait.ge [sflag:s24], $0x1  }
0x1b: {  	[sflag:s24] =	ssyncset.done $0x0  }
0x1c: {  	s26 =	simm.s32 $0x1B8E;
	s25 =	sld [smem:$0x3FFE];
	[sflag:s24] =	ssyncadd.s32 $0xFFFFFFFF  }
0x1d: {  	s27 =	simm.s32 $execute0_lowered;
	[smem:$0x3FD2] =	sst s26  }
0x1e: {  	s5 =	sshll.u32 s27, $0x1;
	_ =	strace $0x80000049;
	[dreg:$0x1] =	wrdreg $0xFFFFFFFF  }
0x1f: {  	s28 =	simm.s32 $_size_execute0_lowered;
	s3 =	sadd.s32 s3, s5;
	[dreg:$0x0] =	wrdreg $0x0  }
0x20: {  	s5 =	sshll.u32 s28, $0x1;
	[dreg:$0x2] =	wrdreg s3  }
0x21: {  	[dreg:$0x3] =	wrdreg s5  }
0x22: {  	[dreg:$0x4] =	wrdreg $0xC0  }
0x23: {  	_ =	task [dreg:s7], $0x5FFFF  }
0x24: {  	[dreg:$0x1] =	wrdreg $0xFFFFFFFF  }
0x25: {  	[dreg:$0x0] =	wrdreg $0x60  }
0x26: {  	[dreg:$0x2] =	wrdreg s25  }
0x27: {  	[dreg:$0x3] =	wrdreg s2  }
0x28: {  	[dreg:$0x4] =	wrdreg $0x9  }
0x29: {  	_ =	task.clear_ibuf [dreg:s7], $0x5FFFF;
	_ =	strace $0x90000049  }
0x2a: {  	s29 =	simm.s32 $0x9;
	_ =	strace $0x8000004B  }
0x2b: {  	_ =	swait.ge [sflag:s29], $0x1  }
0x2c: {  	[sflag:s29] =	ssyncadd.s32 $0xFFFFFFFF  }
0x2d: {  	_ =	strace $0x9000004B  }
0x2e: {  	_ =	sfence  }
0x2f: {  	s30 =	sld [smem:$0x0];
	_ =	sdelay $0x2  }
0x30: {  	s31 =	sshll.u32 s1, $0xD;
	s1 =	sshrl.u32 s1, $0x2  }
0x31: {  	s3 =	sand.u32 $0x4000, s31;
	s1 =	sadd.s32 s1, s30  }
0x32: {  	s0 =	sor.u32 s3, s0;
	s1 =	sshll.u32 s1, $0x11  }
0x33: {  	s0 =	sor.u32 s1, s0  }
0x34: {  	s0 =	sadd.s32 $0x8F2B, s0  }
0x35: {  	[sflag:s0] =	ssyncadd.remote.s32 $0x1  }
0x36: {  	_ =	sfence.sel $0xFFFF  }
0x37: {  	[dreg:$0x0] =	wrdreg $0xFFFFFFFF;
	(pc) =	sbr.abs _section_cstart, $3  }
0x38: {  	[dreg:$0x1] =	wrdreg $0xFFFFFFFF  }
0x39: {  	_ =	task.clear_ibuf [dreg:s7], $0x2FFFF;
	_ =	strace $0x9FFFFFFF  }
0x3a: {  	(tm) =	ssettm $0x7FFFFFFF  }
0x3b: {  	_ =	shalt  }
tec
execute0_lowered:
.L_overlay_start_1:
0x0: {  	(tag) =	ssettag $0x1  }
0x1: {  	s0 =	srdreg.scid  }
0x2: {  	s1 =	sshll.u32 s0, $0x4  }
0x3: {  	s0 =	stileid.u32;
	s1 =	sand.u32 $0x10, s1  }
0x4: {  	s1 =	sor.u32 s0, s1  }
0x5: {  	s6 =	rddreg [dreg:$0x0];
	s4 =	simm.s32 $0x1;
	s2 =	sshll.u32 s1, $0x7  }
0x6: {  	s7 =	simm.s32 $0x2;
	s12 =	simm.s32 $0x0;
	s1 =	ssub.s32 $0x4000, s2  }
0x7: {  	s8 =	simm.s32 $0x20000;
	s13 =	simm.s32 $0x0;
	s3 =	sand.u32 $0xF80, s1  }
0x8: {  	s9 =	simm.s32 $0x0;
	s5 =	sshrl.u32 s1, $0xC;
	p0 =	sne.s32 s3, $0x0  }
.Ltmp0:
0x9: {  	s1 =	rddreg [dreg:$0x2];
	s4 =	simm.s32 @!p0 $0x0;
	(pc) =	sbr.rel .LBB1_1-.Ltmp0, $4  }
0xa: {  	s11 =	simm.s32 $0x0;
	s3 =	rddreg [dreg:$0x1];
	s5 =	sadd.s32 s4, s5  }
0xb: {  	_ =	strace $0x8000004A;
	s4 =	simm.s32 $0x1;
	s5 =	smul.u32 $0x1A, s5  }
0xc: {  	s6 =	sadd.s32 $0xA00, s6;
	s10 =	smov.u32 s2;
	[sflag:s4] =	ssyncpa.u1 $0x0  }
0xd: {  	p0 =	por $0x0, $0x0;
	[sflag:s7] =	ssyncpa.u1 $0x0;
	s7 =	sor.u32 $0x1, s5  }
.LBB1_4:
0xe: {  	s16 =	sshll.u32 s13, $0x3;
	s17 =	sand.u32 $0x78, s13  }
0xf: {  	s30 =	sand.u32 $0xF800, s13;
	s12 =	sshll.u32 s12, $0x10;
	s16 =	sand.u32 $0x3C00, s16  }
0x10: {  	s31 =	sand.u32 $0x7, s13;
	s16 =	sor.u32 s17, s16;
	s17 =	sadd.s32 s3, s30  }
0x11: {  	s13 =	sshll.u32 s31, $0x12;
	s16 =	sshrl.u32 s16, $0x3;
	s12 =	sadd.s32 s12, s17  }
0x12: {  	[tilespmem:s15+$0x0 ss:$0x81] =	vst.msk $0xffff, v0;
	s13 =	sor.u32 $0x400, s13;
	s12 =	sadd.s32 s16, s12  }
0x13: {  	[hbm4b:s12+s13] =	stream.strided.scatter [tilespmem:s14], [sflag:$0x2], $0x1000, s8, s13, $0x20;
	[tilespmem:$0x4040] =	vst v63  }
.LBB1_5:
0x14: {  	s14 =	sadd.s32 $0x1, s9  }
0x15: {  	s12 =	sadd.s32 $0x1000, s10;
	s16 =	smov.u32 s10;
	p2 =	sgt.s32 s14, $0x19  }
0x16: {  	s16 =	smov.u32 @p2 s12  }
0x17: {  	s14 =	simm.s32 @p2 $0x0;
	p2 =	sgt.s32 s16, $0x3FFF  }
0x18: {  	s16 =	smov.u32 @p2 s2;
	p2 =	sne.s32 s11, s7  }
.Ltmp1:
0x19: {  	p1 =	slt.u32 s11, $0x2;
	(pc) =	sbr.rel @!p2 .LBB1_6-.Ltmp1, $4  }
0x1a: {  	s15 =	simm.s32 @!p1 $0x2  }
0x1b: {  	s13 =	smov.u32 s10;
	p0 =	por !p0, !p0;
	_ =	swait.ge @!p1 [sflag:s15], $0x1000  }
0x1c: {  	s12 =	smov.u32 s9;
	[sflag:s15] =	ssyncset.done @!p1 $0x0;
	s9 =	smov.u32 s14  }
0x1d: {  	s11 =	sadd.s32 $0x1, s11;
	[sflag:s15] =	ssyncadd.s32 @!p1 $0xFFFFF000;
	s10 =	smov.u32 s16  }
.LBB1_1:
0x1e: {  	p1 =	sge.u32 s11, s5  }
0x1f: {  	s31 =	sadd.s32 $0xFFFFFFFF, s11;
	s14 =	sxor.u32 @!p1 $0xFFFFFFFF, s11  }
0x20: {  	s15 =	sshll.u32 @!p1 s10, $0x9;
	s16 =	sshll.u32 @!p1 s9, $0x4;
	s17 =	simm.s32 @!p1 $0x1000  }
0x21: {  	s14 =	sshll.u32 @!p1 s14, $0xC;
	s16 =	sand.u32 @!p1 $0x1F0, s16;
	s15 =	sadd.s32 @!p1 s6, s15  }
0x22: {  	s14 =	sand.u32 @!p1 $0x1000, s14;
	s15 =	sadd.s32 @!p1 s16, s15;
	s16 =	simm.s32 @!p1 $0x20  }
0x23: {  	[tilespmem:s14], [sflag:$0x1] =	stream.strided.gather @!p1 [hbm4b:s15+s16], $0x1000, s17, s16, $0x38;
	[tilespmem:$0x4040] =	vst v63  }
0x24: {  	p1 =	sge.u32 s31, s5  }
.Ltmp2:
0x25: {  	_ = 	snop;
	(pc) =	sbr.rel @p1 .LBB1_5-.Ltmp2, $1  }
0x26: {  	_ =	sdelay $0x3  }
0x27: {  	s14 =	simm.s32 $0x1  }
0x28: {  	_ =	swait.ge [sflag:s4], $0x1000;
	s14 =	simm.s32 @!p0 $0x0  }
0x29: {  	[sflag:s4] =	ssyncset.done $0x0;
	s15 =	sshll.u32 s14, $0xC  }
0x2a: {  	[sflag:s4] =	ssyncadd.s32 $0xFFFFF000;
	s18 =	sor.u32 $0x10, s15  }
0x2b: {  	s14 =	smul.u32 $0x4080, s14;
	v1 =	vld [tilespmem:s18+$0x0]  }
0x2c: {  	s30 =	sand.u32 $0x1, s11;
	v0 =	vld [tilespmem:s18+$0xFFFFFFF0]  }
0x2d: {  	s15 =	smul.u32 $0x4080, s30;
	s14 =	sshrl.u32 s14, $0x2  }
0x2e: {  	s16 =	sor.u32 $0x2000, s14  }
0x2f: {  	s31 =	sshrl.u32 s15, $0x2;
	s15 =	sadd.s32 $0x0, s16  }
0x30: {  	s17 =	simm.s32 $0x4;
	s18 =	sadd.s32 $0x20, s18;
	s14 =	sor.u32 $0x2000, s31;
	[tilespmem:s15+$0x810 ss:$0x81] =	vst.msk $0xffff, v1  }
.LBB1_3:
0x31: {  	v1 =	vld [tilespmem:s18+$0x0];
	p1 =	sne.s32 s17, $0x1FC;
	[tilespmem:s15+$0x0 ss:$0x81] =	vst.msk $0xffff, v0;
	s15 =	smov.u32 s17;
	s17 =	sadd.s32 $0x4, s17  }
.Ltmp3:
0x32: {  	v0 =	vld [tilespmem:s18+$0xFFFFFFF0];
	(pc) =	sbr.rel @p1 .LBB1_3-.Ltmp3, $4  }
0x33: {  	_ = 	snop  }
0x34: {  	s15 =	sshra.s32 s15, $0x2  }
0x35: {  	s15 =	sadd.s32 s15, s16  }
0x36: {  	s18 =	sadd.s32 $0x20, s18;
	[tilespmem:s15+$0x810 ss:$0x81] =	vst.msk $0xffff, v1  }
.Ltmp4:
0x37: {  	_ = 	snop;
	(pc) =	sbr.rel .LBB1_4-.Ltmp4, $1  }
0x38: {  	_ =	sdelay $0x3  }
.LBB1_6:
0x39: {  	_ =	sfence.sel $0x180000  }
0x3a: {  	s2 =	simm.s32 $0x1;
	[bflag:$0x0] =	sbarrier.arrive $0xFFFF  }
0x3b: {  	s31 =	simm.s32 $0x2;
	[sflag:s2] =	ssyncpa.u1 $0x1  }
0x3c: {  	[sflag:s31] =	ssyncpa.u1 $0x1  }
0x3d: {  	p0 =	sne.s32 s0, $0x0;
	_ =	strace $0x9000004A  }
0x3e: {  	s0 =	sadd.s32 @!p0 $0x100000, s1;
	[bflag:$0x2] =	sbarrier.arrive $0xFFFF  }
0x3f: {  	[sflag:s0] =	ssyncadd.tile.s32 @!p0 $0x1;
	_ =	shalt  }
.Lfunc_end1:
_tile_overlayer_lowered:
.L_overlay_start_2:
0x40: {  	(tag) =	ssettag $0x2  }
0x41: {  	s0 =	rddreg [dreg:$0x0];
	s2 =	stileid.u32  }
0x42: {  	s1 =	rddreg [dreg:$0x1];
	p0 =	sne.s32 s2, $0x0  }
0x43: {  	s3 =	rddreg [dreg:$0x2];
	[bflag:$0x3] =	sbarrier.arrive $0xFFFF;
	s2 =	simm.s32 @!p0 $0x1C01  }
0x44: {  	[timem:s3], [sflag:s2] =	dma.local @!p0 [hbm:s0], s1  }
0x45: {  	s0 =	simm.s32 @!p0 $0x1  }
0x46: {  	_ =	swait.ge @!p0 [sflag:s0], s1  }
0x47: {  	s1 =	ssub.s32 @!p0 $0x0, s1;
	[sflag:s0] =	ssyncset.done @!p0 $0x0  }
0x48: {  	[sflag:s0] =	ssyncadd.s32 @!p0 s1  }
0x49: {  	[bflag:$0x3] =	sbarrier.arrive $0xFFFF  }
0x4a: {  	_ =	shalt  }

</sc_bundles>
